<compile_context>
chip_gen: v7x
topology: tpu7x:2x2x1
jax: 0.10.2.dev20260603
libtpu: 0.0.44.dev20260713+nightly
codegen_flags: <defaults>
</compile_context>

<pallas_src>
import functools

import jax
import jax.numpy as jnp
from jax import lax
from jax.experimental import pallas as pl
from jax.experimental.pallas import tpu as pltpu
from jax.experimental.pallas import tpu_sc as plsc


def _rne_bf16_bits(x):
    u = lax.bitcast_convert_type(x, jnp.uint32)
    r = u + jnp.uint32(0x7FFF) + ((u >> 16) & jnp.uint32(1))
    return r & jnp.uint32(0xFFFF0000)


def _node_mlp(x, W1, b1, W2, b2, Wm1ae, Wm1ao, Wm1be, Wm1bo, block_rows,
              interpret=False):
    n, din = x.shape
    hdim = W2.shape[1]
    half = Wm1ae.shape[1]
    grid = n // block_rows

    def body(x_ref, W1_ref, b1_ref, W2_ref, b2_ref,
             Wm1ae_ref, Wm1ao_ref, Wm1be_ref, Wm1bo_ref,
             h_ref, pre1e_ref, pre1o_ref, packed_ref):
        xv = x_ref[...]
        t = jnp.maximum(
            jnp.dot(xv, W1_ref[...], preferred_element_type=jnp.float32)
            + b1_ref[...], 0.0)
        h = (jnp.dot(t, W2_ref[...], preferred_element_type=jnp.float32)
             + b2_ref[...])
        h_ref[...] = h
        pre1e_ref[...] = jnp.dot(h, Wm1ae_ref[...],
                                 preferred_element_type=jnp.float32)
        pre1o_ref[...] = jnp.dot(h, Wm1ao_ref[...],
                                 preferred_element_type=jnp.float32)
        pe = jnp.dot(h, Wm1be_ref[...], preferred_element_type=jnp.float32)
        po = jnp.dot(h, Wm1bo_ref[...], preferred_element_type=jnp.float32)
        packed_u = _rne_bf16_bits(po) | (_rne_bf16_bits(pe) >> 16)
        packed_ref[...] = lax.bitcast_convert_type(packed_u, jnp.float32)

    wspec = pl.BlockSpec((din, hdim), lambda i: (0, 0))
    hspec = pl.BlockSpec((hdim, half), lambda i: (0, 0))
    bspec = pl.BlockSpec((1, hdim), lambda i: (0, 0))
    rspec = pl.BlockSpec((block_rows, half), lambda i: (i, 0))
    return pl.pallas_call(
        body,
        grid=(grid,),
        in_specs=[
            pl.BlockSpec((block_rows, din), lambda i: (i, 0)),
            wspec, bspec,
            pl.BlockSpec((hdim, hdim), lambda i: (0, 0)), bspec,
            hspec, hspec, hspec, hspec,
        ],
        out_specs=[
            pl.BlockSpec((block_rows, hdim), lambda i: (i, 0)),
            rspec, rspec, rspec,
        ],
        out_shape=[
            jax.ShapeDtypeStruct((n, hdim), jnp.float32),
            jax.ShapeDtypeStruct((n, half), jnp.float32),
            jax.ShapeDtypeStruct((n, half), jnp.float32),
            jax.ShapeDtypeStruct((n, half), jnp.float32),
        ],
        interpret=interpret,
    )(x, W1, b1, W2, b2, Wm1ae, Wm1ao, Wm1be, Wm1bo)


def _agg_body(deg, pre1e_ref, pre1o_ref, gp_ref, gc_ref, h_ref,
              Wm2e_ref, Wm2o_ref, bm2_ref,
              cpe_ref, cpo_ref, cce_ref, cco_ref,
              Wap1_ref, bap1_ref, wap2_ref,
              Wac1_ref, bac1_ref, wac2_ref,
              out_ref):
    bn = pre1e_ref.shape[0]
    half = pre1e_ref.shape[1]
    hdim = h_ref.shape[1]
    attn = Wap1_ref.shape[1]
    be = bn * deg
    pre1e = pre1e_ref[...]
    pre1o = pre1o_ref[...]
    hi_mask = jnp.uint32(0xFFFF0000)

    def side(g_ref, ce_ref, co_ref, Wa1_ref, ba1_ref, wa2_ref):
        u = lax.bitcast_convert_type(g_ref[...], jnp.uint32)
        t0 = lax.bitcast_convert_type(u << 16, jnp.float32).reshape(bn, deg, half)
        t1 = lax.bitcast_convert_type(u & hi_mask, jnp.float32).reshape(bn, deg, half)
        e0 = jnp.maximum(t0 + pre1e[:, None, :] + ce_ref[...][None], 0.0)
        e1 = jnp.maximum(t1 + pre1o[:, None, :] + co_ref[...][None], 0.0)
        m = (jnp.dot(e0.reshape(be, half), Wm2e_ref[...],
                     preferred_element_type=jnp.float32)
             + jnp.dot(e1.reshape(be, half), Wm2o_ref[...],
                       preferred_element_type=jnp.float32)
             + bm2_ref[...])
        t = jnp.tanh(jnp.dot(m, Wa1_ref[...],
                             preferred_element_type=jnp.float32) + ba1_ref[...])
        s = jnp.sum(t.reshape(bn, deg, attn) * wa2_ref[...][None], axis=-1)
        s = s - jnp.max(s, axis=-1, keepdims=True)
        p = jnp.exp(s)
        w = p / jnp.sum(p, axis=-1, keepdims=True)
        m3 = m.reshape(bn, deg, hdim)
        return jnp.sum(m3 * w[:, :, None], axis=1)

    up = side(gp_ref, cpe_ref, cpo_ref, Wap1_ref, bap1_ref, wap2_ref)
    down = side(gc_ref, cce_ref, cco_ref, Wac1_ref, bac1_ref, wac2_ref)
    out_ref[...] = jnp.concatenate([h_ref[...], up, down], axis=-1)


def _aggregate(pre1e, pre1o, gp, gc, h, Wm2e, Wm2o, bm2,
               cpe, cpo, cce, cco,
               Wap1, bap1, wap2, Wac1, bac1, wac2, block_nodes, deg,
               interpret=False):
    n, half = pre1e.shape
    hdim = h.shape[1]
    attn = Wap1.shape[1]
    grid = n // block_nodes
    be = block_nodes * deg
    const_spec = pl.BlockSpec((1, half), lambda i: (0, 0))
    attn_spec = pl.BlockSpec((1, attn), lambda i: (0, 0))
    return pl.pallas_call(
        functools.partial(_agg_body, deg),
        grid=(grid,),
        in_specs=[
            pl.BlockSpec((block_nodes, half), lambda i: (i, 0)),
            pl.BlockSpec((block_nodes, half), lambda i: (i, 0)),
            pl.BlockSpec((be, half), lambda i: (i, 0)),
            pl.BlockSpec((be, half), lambda i: (i, 0)),
            pl.BlockSpec((block_nodes, hdim), lambda i: (i, 0)),
            pl.BlockSpec((half, hdim), lambda i: (0, 0)),
            pl.BlockSpec((half, hdim), lambda i: (0, 0)),
            pl.BlockSpec((1, hdim), lambda i: (0, 0)),
            const_spec, const_spec, const_spec, const_spec,
            pl.BlockSpec((hdim, attn), lambda i: (0, 0)),
            attn_spec, attn_spec,
            pl.BlockSpec((hdim, attn), lambda i: (0, 0)),
            attn_spec, attn_spec,
        ],
        out_specs=pl.BlockSpec((block_nodes, 3 * hdim), lambda i: (i, 0)),
        out_shape=jax.ShapeDtypeStruct((n, 3 * hdim), jnp.float32),
        interpret=interpret,
    )(pre1e, pre1o, gp, gc, h, Wm2e, Wm2o, bm2, cpe, cpo, cce, cco,
      Wap1, bap1, wap2, Wac1, bac1, wac2)


_CHUNK = 128


def _sc_gather(table, idx_flat):
    tchunks, ch = idx_flat.shape
    rows = tchunks * ch
    d = table.shape[1]
    dt = table.dtype
    cnt = tchunks // 32
    assert tchunks % 32 == 0 and cnt % 2 == 0
    mesh = plsc.VectorSubcoreMesh(core_axis_name="c", subcore_axis_name="s")

    @functools.partial(
        pl.kernel,
        mesh=mesh,
        out_type=jax.ShapeDtypeStruct((rows, d), dt),
        scratch_types=[
            pltpu.VMEM((cnt, ch), jnp.int32),
            pltpu.VMEM((ch, d), dt),
            pltpu.VMEM((ch, d), dt),
            pltpu.SemaphoreType.DMA,
            pltpu.SemaphoreType.DMA,
        ],
    )
    def gather_k(table_hbm, idx_hbm, out_hbm, idx_v, rows_a, rows_b,
                 sem_a, sem_b):
        wid = lax.axis_index("s") * 2 + lax.axis_index("c")
        start = wid * cnt
        pltpu.sync_copy(idx_hbm.at[pl.ds(start, cnt)], idx_v)
        base = start * ch

        pltpu.make_async_copy(table_hbm.at[idx_v.at[0]], rows_a, sem_a).start()

        def body(i, _):
            j = 2 * i
            pltpu.make_async_copy(
                table_hbm.at[idx_v.at[j + 1]], rows_b, sem_b).start()
            pltpu.make_async_copy(table_hbm.at[idx_v.at[j]], rows_a, sem_a).wait()
            pltpu.sync_copy(rows_a, out_hbm.at[pl.ds(base + j * ch, ch)])

            @pl.when(j + 2 < cnt)
            def _():
                pltpu.make_async_copy(
                    table_hbm.at[idx_v.at[j + 2]], rows_a, sem_a).start()

            pltpu.make_async_copy(
                table_hbm.at[idx_v.at[j + 1]], rows_b, sem_b).wait()
            pltpu.sync_copy(rows_b, out_hbm.at[pl.ds(base + (j + 1) * ch, ch)])
            return 0

        lax.fori_loop(0, cnt // 2, body, 0)

    return gather_k(table, idx_flat)


_SLICES = 2


def kernel(x_nodes, parents_list, children_list,
           W1, b1, W2, b2,
           Wm1, bm1, Wm2, bm2,
           Wap1, bap1, Wap2, bap2,
           Wac1, bac1, Wac2, bac2):
    n, din = x_nodes.shape
    deg = parents_list.shape[1]
    hdim = W2.shape[1]
    msg = Wm2.shape[0]
    attn = Wap1.shape[1]
    half = msg // 2

    Wm1a = Wm1[:hdim]
    Wm1b = Wm1[hdim:2 * hdim]
    h, pre1e, pre1o, packed = _node_mlp(
        x_nodes, W1, b1.reshape(1, hdim), W2, b2.reshape(1, hdim),
        Wm1a[:, 0::2], Wm1a[:, 1::2], Wm1b[:, 0::2], Wm1b[:, 1::2],
        block_rows=1000)

    cp = (bm1 + Wm1[2 * hdim])
    cc = bm1
    agg_consts = (Wm2[0::2], Wm2[1::2], bm2.reshape(1, hdim),
                  cp[0::2].reshape(1, half), cp[1::2].reshape(1, half),
                  cc[0::2].reshape(1, half), cc[1::2].reshape(1, half),
                  Wap1, bap1.reshape(1, attn), Wap2.reshape(1, attn),
                  Wac1, bac1.reshape(1, attn), Wac2.reshape(1, attn))

    if _SLICES == 3:
        sizes = [n * 2 // 5, n * 3 // 10, n * 3 // 10]
    else:
        sizes = [n // _SLICES] * _SLICES
    outs = []
    lo = 0
    for ns in sizes:
        idx_s = jnp.concatenate(
            [lax.dynamic_slice_in_dim(parents_list, lo, ns).reshape(-1),
             lax.dynamic_slice_in_dim(children_list, lo, ns).reshape(-1)]
        ).astype(jnp.int32)
        ne_s = ns * deg
        total = 2 * ne_s
        tchunks = -(-total // _CHUNK)
        tchunks += -tchunks % 64
        idx_s = jnp.pad(idx_s, (0, tchunks * _CHUNK - total))
        gathered = _sc_gather(packed, idx_s.reshape(tchunks, _CHUNK))
        outs.append(_aggregate(
            pre1e[lo:lo + ns], pre1o[lo:lo + ns],
            gathered[:ne_s], gathered[ne_s:2 * ne_s], h[lo:lo + ns],
            *agg_consts, block_nodes=200, deg=deg))
        lo += ns
    return jnp.concatenate(outs, axis=0)

# --- scband reference (transcript-rebuilt; emitter-appended) ---
"""Pipeline reference for scband-qgnn-4758823764712 (READ-ONLY COPY).

The authoritative reference and input builder live on the scoring server;
editing this copy changes nothing except your own understanding.
"""

import jax, jax.numpy as jnp
import numpy as np

N = 10000
DEG = 16
DIN = 128
H = 128
MSG = 256
ATTN = 64


def setup_inputs(seed: int = 0) -> dict:
    key = jax.random.key(seed)
    ks = jax.random.split(key, 12)

    def w(k, shape):
        return jax.random.normal(k, shape, dtype=jnp.float32) * 0.02

    inp = {
        "x_nodes": jax.random.normal(ks[0], (N, DIN), dtype=jnp.float32),
        "parents_list": jax.random.randint(ks[1], (N, DEG), 0, N),
        "children_list": jax.random.randint(ks[2], (N, DEG), 0, N),
        # node_mlp: Linear(DIN,H) -> ReLU -> Linear(H,H)
        "W1": w(ks[3], (DIN, H)), "b1": jnp.zeros((H,), jnp.float32),
        "W2": w(ks[4], (H, H)), "b2": jnp.zeros((H,), jnp.float32),
        # msg_mlp: Linear(2H+1, MSG) -> ReLU -> Linear(MSG, H)
        "Wm1": w(ks[5], (2 * H + 1, MSG)), "bm1": jnp.zeros((MSG,), jnp.float32),
        "Wm2": w(ks[6], (MSG, H)), "bm2": jnp.zeros((H,), jnp.float32),
        # attn_parents: Linear(H, ATTN) -> Tanh -> Linear(ATTN, 1)
        "Wap1": w(ks[7], (H, ATTN)), "bap1": jnp.zeros((ATTN,), jnp.float32),
        "Wap2": w(ks[8], (ATTN, 1)), "bap2": jnp.zeros((1,), jnp.float32),
        # attn_children: Linear(H, ATTN) -> Tanh -> Linear(ATTN, 1)
        "Wac1": w(ks[9], (H, ATTN)), "bac1": jnp.zeros((ATTN,), jnp.float32),
        "Wac2": w(ks[10], (ATTN, 1)), "bac2": jnp.zeros((1,), jnp.float32),
    }
    return inp


def reference(x_nodes, parents_list, children_list,
              W1, b1, W2, b2,
              Wm1, bm1, Wm2, bm2,
              Wap1, bap1, Wap2, bap2,
              Wac1, bac1, Wac2, bac2):
    # node_mlp
    h = jnp.maximum(x_nodes @ W1 + b1, 0.0) @ W2 + b2  # [N, H]

    def side(idx, flag_val, Wa1, ba1, Wa2, ba2):
        h_other = h[idx]                                  # gather: [N, DEG, H]
        h_self = jnp.broadcast_to(h[:, None, :], h_other.shape)
        flag = jnp.full((h_other.shape[0], h_other.shape[1], 1), flag_val, dtype=h.dtype)
        m_in = jnp.concatenate([h_self, h_other, flag], axis=-1)  # [N, DEG, 2H+1]
        m = jnp.maximum(m_in @ Wm1 + bm1, 0.0) @ Wm2 + bm2        # [N, DEG, H]
        scores = jnp.tanh(m @ Wa1 + ba1) @ Wa2 + ba2              # [N, DEG, 1]
        attn_w = jax.nn.softmax(scores, axis=1)                   # softmax over each node's messages
        return jnp.sum(attn_w * m, axis=1)                        # [N, H]

    msg_up = side(parents_list, 1.0, Wap1, bap1, Wap2, bap2)     # as_child=1 for parent msgs
    msg_down = side(children_list, 0.0, Wac1, bac1, Wac2, bac2)  # as_child=0 for child msgs
    return jnp.concatenate([h, msg_up, msg_down], axis=-1)       # [N, 3H]

if __name__ == "__main__":
    import jax
    _d = setup_inputs()
    print(jax.jit(kernel)(*tuple(_d.values())))

</pallas_src>

<mosaic_0001>
#map = affine_map<(d0, d1) -> (0, 0)>
module attributes {stable_mosaic.version = 14 : i64} {
  func.func @gather_k(%arg0: i32, %arg1: i32, %arg2: memref<10000x128xf32, #tpu.memory_space<hbm>>, %arg3: memref<1280x128xi32, #tpu.memory_space<hbm>>, %arg4: memref<163840x128xf32, #tpu.memory_space<hbm>>, %arg5: memref<40x128xi32, #tpu.memory_space<vmem>>, %arg6: memref<128x128xf32, #tpu.memory_space<vmem>>, %arg7: memref<128x128xf32, #tpu.memory_space<vmem>>, %arg8: memref<!tpu.dma_semaphore, #tpu.memory_space<semaphore_mem>>, %arg9: memref<!tpu.dma_semaphore, #tpu.memory_space<semaphore_mem>>) attributes {dimension_semantics = [#tpu.dimension_semantics<core_parallel>, #tpu.dimension_semantics<subcore_parallel>], iteration_bounds = array<i64: 2, 16>, scalar_prefetch = 0 : i64, scratch_operands = 5 : i64, tpu.core_type = #tpu.core_type<sc_vector_subcore>, window_params = [{transform_indices = #map}, {transform_indices = #map}, {transform_indices = #map}]} {
    %mul3A = arith.constant 2 : i32
    %mul3A_0 = arith.muli %arg1, %mul3A : i32
    %add3A = arith.addi %mul3A_0, %arg0 : i32
    %mul3A_1 = arith.constant 40 : i32
    %mul3A_2 = arith.muli %add3A, %mul3A_1 : i32
    "tpu.region"() ({
      %run_scoped3A = tpu.sem_alloc : memref<!tpu.dma_semaphore, #tpu.memory_space<semaphore_mem>>
      %dma_start3A_17 = arith.constant 0 : i32
      %dma_start3A_18 = tpu.memref_slice %arg3[%mul3A_2, %dma_start3A_17] : memref<1280x128xi32, #tpu.memory_space<hbm>> -> memref<40x128xi32, #tpu.memory_space<hbm>>
      %dma_start3A_19 = arith.constant 0 : i32
      %dma_start3A_20 = tpu.memref_slice %arg3[%mul3A_2, %dma_start3A_19] : memref<1280x128xi32, #tpu.memory_space<hbm>> -> memref<40x128xi32, #tpu.memory_space<hbm>>
      tpu.enqueue_dma source(%dma_start3A_20 : memref<40x128xi32, #tpu.memory_space<hbm>>) target(%arg5 : memref<40x128xi32, #tpu.memory_space<vmem>>) target_semaphore(%run_scoped3A : memref<!tpu.dma_semaphore, #tpu.memory_space<semaphore_mem>>)
      %dma_wait3A = arith.constant 0 : i32
      %dma_wait3A_21 = tpu.memref_slice %arg3[%mul3A_2, %dma_wait3A] : memref<1280x128xi32, #tpu.memory_space<hbm>> -> memref<40x128xi32, #tpu.memory_space<hbm>>
      %dma_wait3A_22 = arith.constant 0 : i32
      %dma_wait3A_23 = tpu.memref_slice %arg3[%mul3A_2, %dma_wait3A_22] : memref<1280x128xi32, #tpu.memory_space<hbm>> -> memref<40x128xi32, #tpu.memory_space<hbm>>
      tpu.wait_dma2 semaphore(%run_scoped3A : memref<!tpu.dma_semaphore, #tpu.memory_space<semaphore_mem>>) src(%dma_wait3A_23 : memref<40x128xi32, #tpu.memory_space<hbm>>) dst(%arg5 : memref<40x128xi32, #tpu.memory_space<vmem>>)
      tpu.yield
    }) : () -> ()
    %mul3A_3 = arith.constant 128 : i32
    %mul3A_4 = arith.muli %mul3A_2, %mul3A_3 : i32
    %dma_start3A = arith.constant 0 : i32
    %dma_start3A_5 = arith.constant 0 : i32
    %dma_start3A_6 = tpu.memref_slice %arg5[%dma_start3A, %dma_start3A_5] : memref<40x128xi32, #tpu.memory_space<vmem>> -> memref<1x128xi32, #tpu.memory_space<vmem>>
    %dma_start3A_7 = tpu.memref_squeeze %dma_start3A_6 : memref<1x128xi32, #tpu.memory_space<vmem>> -> memref<128xi32, #tpu.memory_space<vmem>>
    %dma_start3A_8 = arith.constant 0 : i32
    %dma_start3A_9 = arith.constant 0 : i32
    %dma_start3A_10 = tpu.memref_slice %arg2[%dma_start3A_8, %dma_start3A_9] : memref<10000x128xf32, #tpu.memory_space<hbm>> -> memref<10000x128xf32, #tpu.memory_space<hbm>>
    tpu.enqueue_indirect_dma source(%dma_start3A_10 : memref<10000x128xf32, #tpu.memory_space<hbm>>) target(%arg6 : memref<128x128xf32, #tpu.memory_space<vmem>>) offsets(%dma_start3A_7 : memref<128xi32, #tpu.memory_space<vmem>>) semaphore(%arg8 : memref<!tpu.dma_semaphore, #tpu.memory_space<semaphore_mem>>)
    %scan3A = arith.constant 0 : i32
    %scan3A_11 = arith.constant 0 : i32
    %scan3A_12 = arith.constant 20 : i32
    %scan3A_13 = arith.addi %scan3A_11, %scan3A_12 : i32
    %scan3A_14 = arith.constant 1 : i32
    %scan3A_15 = scf.for %scan3A_17 = %scan3A_11 to %scan3A_13 step %scan3A_14 iter_args(%scan3A_18 = %scan3A) -> (i32)  : i32 {
      %mul3A_19 = arith.constant 2 : i32
      %mul3A_20 = arith.muli %mul3A_19, %scan3A_17 : i32
      %add3A_21 = arith.constant 1 : i32
      %add3A_22 = arith.addi %mul3A_20, %add3A_21 : i32
      %dma_start3A_23 = arith.constant 0 : i32
      %dma_start3A_24 = tpu.memref_slice %arg5[%add3A_22, %dma_start3A_23] : memref<40x128xi32, #tpu.memory_space<vmem>> -> memref<1x128xi32, #tpu.memory_space<vmem>>
      %dma_start3A_25 = tpu.memref_squeeze %dma_start3A_24 : memref<1x128xi32, #tpu.memory_space<vmem>> -> memref<128xi32, #tpu.memory_space<vmem>>
      %dma_start3A_26 = arith.constant 0 : i32
      %dma_start3A_27 = arith.constant 0 : i32
      %dma_start3A_28 = tpu.memref_slice %arg2[%dma_start3A_26, %dma_start3A_27] : memref<10000x128xf32, #tpu.memory_space<hbm>> -> memref<10000x128xf32, #tpu.memory_space<hbm>>
      tpu.enqueue_indirect_dma source(%dma_start3A_28 : memref<10000x128xf32, #tpu.memory_space<hbm>>) target(%arg7 : memref<128x128xf32, #tpu.memory_space<vmem>>) offsets(%dma_start3A_25 : memref<128xi32, #tpu.memory_space<vmem>>) semaphore(%arg9 : memref<!tpu.dma_semaphore, #tpu.memory_space<semaphore_mem>>)
      %dma_wait3A = arith.constant 0 : i32
      %dma_wait3A_29 = tpu.memref_slice %arg5[%mul3A_20, %dma_wait3A] : memref<40x128xi32, #tpu.memory_space<vmem>> -> memref<1x128xi32, #tpu.memory_space<vmem>>
      %dma_wait3A_30 = tpu.memref_squeeze %dma_wait3A_29 : memref<1x128xi32, #tpu.memory_space<vmem>> -> memref<128xi32, #tpu.memory_space<vmem>>
      %dma_wait3A_31 = arith.constant 0 : i32
      %dma_wait3A_32 = arith.constant 0 : i32
      %dma_wait3A_33 = tpu.memref_slice %arg2[%dma_wait3A_31, %dma_wait3A_32] : memref<10000x128xf32, #tpu.memory_space<hbm>> -> memref<10000x128xf32, #tpu.memory_space<hbm>>
      tpu.wait_indirect_dma semaphore(%arg8 : memref<!tpu.dma_semaphore, #tpu.memory_space<semaphore_mem>>) src(%dma_wait3A_33 : memref<10000x128xf32, #tpu.memory_space<hbm>>) dst(%arg6 : memref<128x128xf32, #tpu.memory_space<vmem>>)
      %mul3A_34 = arith.constant 128 : i32
      %mul3A_35 = arith.muli %mul3A_20, %mul3A_34 : i32
      %add3A_36 = arith.addi %mul3A_4, %mul3A_35 : i32
      "tpu.region"() ({
        %run_scoped3A = tpu.sem_alloc : memref<!tpu.dma_semaphore, #tpu.memory_space<semaphore_mem>>
        %dma_start3A_55 = arith.constant 0 : i32
        %dma_start3A_56 = tpu.memref_slice %arg4[%add3A_36, %dma_start3A_55] : memref<163840x128xf32, #tpu.memory_space<hbm>> -> memref<128x128xf32, #tpu.memory_space<hbm>>
        %dma_start3A_57 = arith.constant 0 : i32
        %dma_start3A_58 = tpu.memref_slice %arg4[%add3A_36, %dma_start3A_57] : memref<163840x128xf32, #tpu.memory_space<hbm>> -> memref<128x128xf32, #tpu.memory_space<hbm>>
        tpu.enqueue_dma source(%arg6 : memref<128x128xf32, #tpu.memory_space<vmem>>) target(%dma_start3A_58 : memref<128x128xf32, #tpu.memory_space<hbm>>) target_semaphore(%run_scoped3A : memref<!tpu.dma_semaphore, #tpu.memory_space<semaphore_mem>>)
        %dma_wait3A_59 = arith.constant 0 : i32
        %dma_wait3A_60 = tpu.memref_slice %arg4[%add3A_36, %dma_wait3A_59] : memref<163840x128xf32, #tpu.memory_space<hbm>> -> memref<128x128xf32, #tpu.memory_space<hbm>>
        %dma_wait3A_61 = arith.constant 0 : i32
        %dma_wait3A_62 = tpu.memref_slice %arg4[%add3A_36, %dma_wait3A_61] : memref<163840x128xf32, #tpu.memory_space<hbm>> -> memref<128x128xf32, #tpu.memory_space<hbm>>
        tpu.wait_dma2 semaphore(%run_scoped3A : memref<!tpu.dma_semaphore, #tpu.memory_space<semaphore_mem>>) src(%arg6 : memref<128x128xf32, #tpu.memory_space<vmem>>) dst(%dma_wait3A_62 : memref<128x128xf32, #tpu.memory_space<hbm>>)
        tpu.yield
      }) : () -> ()
      %add3A_37 = arith.constant 2 : i32
      %add3A_38 = arith.addi %mul3A_20, %add3A_37 : i32
      %lt3A = arith.constant 40 : i32
      %lt3A_39 = arith.cmpi slt, %add3A_38, %lt3A : i32
      %convert_element_type3A = arith.extui %lt3A_39 : i1 to i32
      %cond3A = arith.constant 0 : i32
      %cond3A_40 = arith.cmpi ne, %convert_element_type3A, %cond3A : i32
      scf.if %cond3A_40 {
        %add3A_55 = arith.constant 2 : i32
        %add3A_56 = arith.addi %mul3A_20, %add3A_55 : i32
        %dma_start3A_57 = arith.constant 0 : i32
        %dma_start3A_58 = tpu.memref_slice %arg5[%add3A_56, %dma_start3A_57] : memref<40x128xi32, #tpu.memory_space<vmem>> -> memref<1x128xi32, #tpu.memory_space<vmem>>
        %dma_start3A_59 = tpu.memref_squeeze %dma_start3A_58 : memref<1x128xi32, #tpu.memory_space<vmem>> -> memref<128xi32, #tpu.memory_space<vmem>>
        %dma_start3A_60 = arith.constant 0 : i32
        %dma_start3A_61 = arith.constant 0 : i32
        %dma_start3A_62 = tpu.memref_slice %arg2[%dma_start3A_60, %dma_start3A_61] : memref<10000x128xf32, #tpu.memory_space<hbm>> -> memref<10000x128xf32, #tpu.memory_space<hbm>>
        tpu.enqueue_indirect_dma source(%dma_start3A_62 : memref<10000x128xf32, #tpu.memory_space<hbm>>) target(%arg6 : memref<128x128xf32, #tpu.memory_space<vmem>>) offsets(%dma_start3A_59 : memref<128xi32, #tpu.memory_space<vmem>>) semaphore(%arg8 : memref<!tpu.dma_semaphore, #tpu.memory_space<semaphore_mem>>)
      } else {
      }
      %add3A_41 = arith.constant 1 : i32
      %add3A_42 = arith.addi %mul3A_20, %add3A_41 : i32
      %dma_wait3A_43 = arith.constant 0 : i32
      %dma_wait3A_44 = tpu.memref_slice %arg5[%add3A_42, %dma_wait3A_43] : memref<40x128xi32, #tpu.memory_space<vmem>> -> memref<1x128xi32, #tpu.memory_space<vmem>>
      %dma_wait3A_45 = tpu.memref_squeeze %dma_wait3A_44 : memref<1x128xi32, #tpu.memory_space<vmem>> -> memref<128xi32, #tpu.memory_space<vmem>>
      %dma_wait3A_46 = arith.constant 0 : i32
      %dma_wait3A_47 = arith.constant 0 : i32
      %dma_wait3A_48 = tpu.memref_slice %arg2[%dma_wait3A_46, %dma_wait3A_47] : memref<10000x128xf32, #tpu.memory_space<hbm>> -> memref<10000x128xf32, #tpu.memory_space<hbm>>
      tpu.wait_indirect_dma semaphore(%arg9 : memref<!tpu.dma_semaphore, #tpu.memory_space<semaphore_mem>>) src(%dma_wait3A_48 : memref<10000x128xf32, #tpu.memory_space<hbm>>) dst(%arg7 : memref<128x128xf32, #tpu.memory_space<vmem>>)
      %add3A_49 = arith.constant 1 : i32
      %add3A_50 = arith.addi %mul3A_20, %add3A_49 : i32
      %mul3A_51 = arith.constant 128 : i32
      %mul3A_52 = arith.muli %add3A_50, %mul3A_51 : i32
      %add3A_53 = arith.addi %mul3A_4, %mul3A_52 : i32
      "tpu.region"() ({
        %run_scoped3A = tpu.sem_alloc : memref<!tpu.dma_semaphore, #tpu.memory_space<semaphore_mem>>
        %dma_start3A_55 = arith.constant 0 : i32
        %dma_start3A_56 = tpu.memref_slice %arg4[%add3A_53, %dma_start3A_55] : memref<163840x128xf32, #tpu.memory_space<hbm>> -> memref<128x128xf32, #tpu.memory_space<hbm>>
        %dma_start3A_57 = arith.constant 0 : i32
        %dma_start3A_58 = tpu.memref_slice %arg4[%add3A_53, %dma_start3A_57] : memref<163840x128xf32, #tpu.memory_space<hbm>> -> memref<128x128xf32, #tpu.memory_space<hbm>>
        tpu.enqueue_dma source(%arg7 : memref<128x128xf32, #tpu.memory_space<vmem>>) target(%dma_start3A_58 : memref<128x128xf32, #tpu.memory_space<hbm>>) target_semaphore(%run_scoped3A : memref<!tpu.dma_semaphore, #tpu.memory_space<semaphore_mem>>)
        %dma_wait3A_59 = arith.constant 0 : i32
        %dma_wait3A_60 = tpu.memref_slice %arg4[%add3A_53, %dma_wait3A_59] : memref<163840x128xf32, #tpu.memory_space<hbm>> -> memref<128x128xf32, #tpu.memory_space<hbm>>
        %dma_wait3A_61 = arith.constant 0 : i32
        %dma_wait3A_62 = tpu.memref_slice %arg4[%add3A_53, %dma_wait3A_61] : memref<163840x128xf32, #tpu.memory_space<hbm>> -> memref<128x128xf32, #tpu.memory_space<hbm>>
        tpu.wait_dma2 semaphore(%run_scoped3A : memref<!tpu.dma_semaphore, #tpu.memory_space<semaphore_mem>>) src(%arg7 : memref<128x128xf32, #tpu.memory_space<vmem>>) dst(%dma_wait3A_62 : memref<128x128xf32, #tpu.memory_space<hbm>>)
        tpu.yield
      }) : () -> ()
      %scan3A_54 = arith.constant 0 : i32
      scf.yield %scan3A_54 : i32
    }
    %scan3A_16 = arith.constant 20 : i32
    return
  }
}

#map = affine_map<(d0, d1) -> (0, 0)>
module attributes {stable_mosaic.version = 14 : i64} {
  func.func @gather_k(%arg0: i32, %arg1: i32, %arg2: memref<10000x128xf32, #tpu.memory_space<hbm>>, %arg3: memref<1280x128xi32, #tpu.memory_space<hbm>>, %arg4: memref<163840x128xf32, #tpu.memory_space<hbm>>, %arg5: memref<40x128xi32, #tpu.memory_space<vmem>>, %arg6: memref<128x128xf32, #tpu.memory_space<vmem>>, %arg7: memref<128x128xf32, #tpu.memory_space<vmem>>, %arg8: memref<!tpu.dma_semaphore, #tpu.memory_space<semaphore_mem>>, %arg9: memref<!tpu.dma_semaphore, #tpu.memory_space<semaphore_mem>>) attributes {dimension_semantics = [#tpu.dimension_semantics<core_parallel>, #tpu.dimension_semantics<subcore_parallel>], iteration_bounds = array<i64: 2, 16>, scalar_prefetch = 0 : i64, scratch_operands = 5 : i64, tpu.core_type = #tpu.core_type<sc_vector_subcore>, window_params = [{transform_indices = #map}, {transform_indices = #map}, {transform_indices = #map}]} {
    %mul3A = arith.constant 2 : i32
    %mul3A_0 = arith.muli %arg1, %mul3A : i32
    %add3A = arith.addi %mul3A_0, %arg0 : i32
    %mul3A_1 = arith.constant 40 : i32
    %mul3A_2 = arith.muli %add3A, %mul3A_1 : i32
    "tpu.region"() ({
      %run_scoped3A = tpu.sem_alloc : memref<!tpu.dma_semaphore, #tpu.memory_space<semaphore_mem>>
      %dma_start3A_17 = arith.constant 0 : i32
      %dma_start3A_18 = tpu.memref_slice %arg3[%mul3A_2, %dma_start3A_17] : memref<1280x128xi32, #tpu.memory_space<hbm>> -> memref<40x128xi32, #tpu.memory_space<hbm>>
      %dma_start3A_19 = arith.constant 0 : i32
      %dma_start3A_20 = tpu.memref_slice %arg3[%mul3A_2, %dma_start3A_19] : memref<1280x128xi32, #tpu.memory_space<hbm>> -> memref<40x128xi32, #tpu.memory_space<hbm>>
      tpu.enqueue_dma source(%dma_start3A_20 : memref<40x128xi32, #tpu.memory_space<hbm>>) target(%arg5 : memref<40x128xi32, #tpu.memory_space<vmem>>) target_semaphore(%run_scoped3A : memref<!tpu.dma_semaphore, #tpu.memory_space<semaphore_mem>>)
      %dma_wait3A = arith.constant 0 : i32
      %dma_wait3A_21 = tpu.memref_slice %arg3[%mul3A_2, %dma_wait3A] : memref<1280x128xi32, #tpu.memory_space<hbm>> -> memref<40x128xi32, #tpu.memory_space<hbm>>
      %dma_wait3A_22 = arith.constant 0 : i32
      %dma_wait3A_23 = tpu.memref_slice %arg3[%mul3A_2, %dma_wait3A_22] : memref<1280x128xi32, #tpu.memory_space<hbm>> -> memref<40x128xi32, #tpu.memory_space<hbm>>
      tpu.wait_dma2 semaphore(%run_scoped3A : memref<!tpu.dma_semaphore, #tpu.memory_space<semaphore_mem>>) src(%dma_wait3A_23 : memref<40x128xi32, #tpu.memory_space<hbm>>) dst(%arg5 : memref<40x128xi32, #tpu.memory_space<vmem>>)
      tpu.yield
    }) : () -> ()
    %mul3A_3 = arith.constant 128 : i32
    %mul3A_4 = arith.muli %mul3A_2, %mul3A_3 : i32
    %dma_start3A = arith.constant 0 : i32
    %dma_start3A_5 = arith.constant 0 : i32
    %dma_start3A_6 = tpu.memref_slice %arg5[%dma_start3A, %dma_start3A_5] : memref<40x128xi32, #tpu.memory_space<vmem>> -> memref<1x128xi32, #tpu.memory_space<vmem>>
    %dma_start3A_7 = tpu.memref_squeeze %dma_start3A_6 : memref<1x128xi32, #tpu.memory_space<vmem>> -> memref<128xi32, #tpu.memory_space<vmem>>
    %dma_start3A_8 = arith.constant 0 : i32
    %dma_start3A_9 = arith.constant 0 : i32
    %dma_start3A_10 = tpu.memref_slice %arg2[%dma_start3A_8, %dma_start3A_9] : memref<10000x128xf32, #tpu.memory_space<hbm>> -> memref<10000x128xf32, #tpu.memory_space<hbm>>
    tpu.enqueue_indirect_dma source(%dma_start3A_10 : memref<10000x128xf32, #tpu.memory_space<hbm>>) target(%arg6 : memref<128x128xf32, #tpu.memory_space<vmem>>) offsets(%dma_start3A_7 : memref<128xi32, #tpu.memory_space<vmem>>) semaphore(%arg8 : memref<!tpu.dma_semaphore, #tpu.memory_space<semaphore_mem>>)
    %scan3A = arith.constant 0 : i32
    %scan3A_11 = arith.constant 0 : i32
    %scan3A_12 = arith.constant 20 : i32
    %scan3A_13 = arith.addi %scan3A_11, %scan3A_12 : i32
    %scan3A_14 = arith.constant 1 : i32
    %scan3A_15 = scf.for %scan3A_17 = %scan3A_11 to %scan3A_13 step %scan3A_14 iter_args(%scan3A_18 = %scan3A) -> (i32)  : i32 {
      %mul3A_19 = arith.constant 2 : i32
      %mul3A_20 = arith.muli %mul3A_19, %scan3A_17 : i32
      %add3A_21 = arith.constant 1 : i32
      %add3A_22 = arith.addi %mul3A_20, %add3A_21 : i32
      %dma_start3A_23 = arith.constant 0 : i32
      %dma_start3A_24 = tpu.memref_slice %arg5[%add3A_22, %dma_start3A_23] : memref<40x128xi32, #tpu.memory_space<vmem>> -> memref<1x128xi32, #tpu.memory_space<vmem>>
      %dma_start3A_25 = tpu.memref_squeeze %dma_start3A_24 : memref<1x128xi32, #tpu.memory_space<vmem>> -> memref<128xi32, #tpu.memory_space<vmem>>
      %dma_start3A_26 = arith.constant 0 : i32
      %dma_start3A_27 = arith.constant 0 : i32
      %dma_start3A_28 = tpu.memref_slice %arg2[%dma_start3A_26, %dma_start3A_27] : memref<10000x128xf32, #tpu.memory_space<hbm>> -> memref<10000x128xf32, #tpu.memory_space<hbm>>
      tpu.enqueue_indirect_dma source(%dma_start3A_28 : memref<10000x128xf32, #tpu.memory_space<hbm>>) target(%arg7 : memref<128x128xf32, #tpu.memory_space<vmem>>) offsets(%dma_start3A_25 : memref<128xi32, #tpu.memory_space<vmem>>) semaphore(%arg9 : memref<!tpu.dma_semaphore, #tpu.memory_space<semaphore_mem>>)
      %dma_wait3A = arith.constant 0 : i32
      %dma_wait3A_29 = tpu.memref_slice %arg5[%mul3A_20, %dma_wait3A] : memref<40x128xi32, #tpu.memory_space<vmem>> -> memref<1x128xi32, #tpu.memory_space<vmem>>
      %dma_wait3A_30 = tpu.memref_squeeze %dma_wait3A_29 : memref<1x128xi32, #tpu.memory_space<vmem>> -> memref<128xi32, #tpu.memory_space<vmem>>
      %dma_wait3A_31 = arith.constant 0 : i32
      %dma_wait3A_32 = arith.constant 0 : i32
      %dma_wait3A_33 = tpu.memref_slice %arg2[%dma_wait3A_31, %dma_wait3A_32] : memref<10000x128xf32, #tpu.memory_space<hbm>> -> memref<10000x128xf32, #tpu.memory_space<hbm>>
      tpu.wait_indirect_dma semaphore(%arg8 : memref<!tpu.dma_semaphore, #tpu.memory_space<semaphore_mem>>) src(%dma_wait3A_33 : memref<10000x128xf32, #tpu.memory_space<hbm>>) dst(%arg6 : memref<128x128xf32, #tpu.memory_space<vmem>>)
      %mul3A_34 = arith.constant 128 : i32
      %mul3A_35 = arith.muli %mul3A_20, %mul3A_34 : i32
      %add3A_36 = arith.addi %mul3A_4, %mul3A_35 : i32
      "tpu.region"() ({
        %run_scoped3A = tpu.sem_alloc : memref<!tpu.dma_semaphore, #tpu.memory_space<semaphore_mem>>
        %dma_start3A_55 = arith.constant 0 : i32
        %dma_start3A_56 = tpu.memref_slice %arg4[%add3A_36, %dma_start3A_55] : memref<163840x128xf32, #tpu.memory_space<hbm>> -> memref<128x128xf32, #tpu.memory_space<hbm>>
        %dma_start3A_57 = arith.constant 0 : i32
        %dma_start3A_58 = tpu.memref_slice %arg4[%add3A_36, %dma_start3A_57] : memref<163840x128xf32, #tpu.memory_space<hbm>> -> memref<128x128xf32, #tpu.memory_space<hbm>>
        tpu.enqueue_dma source(%arg6 : memref<128x128xf32, #tpu.memory_space<vmem>>) target(%dma_start3A_58 : memref<128x128xf32, #tpu.memory_space<hbm>>) target_semaphore(%run_scoped3A : memref<!tpu.dma_semaphore, #tpu.memory_space<semaphore_mem>>)
        %dma_wait3A_59 = arith.constant 0 : i32
        %dma_wait3A_60 = tpu.memref_slice %arg4[%add3A_36, %dma_wait3A_59] : memref<163840x128xf32, #tpu.memory_space<hbm>> -> memref<128x128xf32, #tpu.memory_space<hbm>>
        %dma_wait3A_61 = arith.constant 0 : i32
        %dma_wait3A_62 = tpu.memref_slice %arg4[%add3A_36, %dma_wait3A_61] : memref<163840x128xf32, #tpu.memory_space<hbm>> -> memref<128x128xf32, #tpu.memory_space<hbm>>
        tpu.wait_dma2 semaphore(%run_scoped3A : memref<!tpu.dma_semaphore, #tpu.memory_space<semaphore_mem>>) src(%arg6 : memref<128x128xf32, #tpu.memory_space<vmem>>) dst(%dma_wait3A_62 : memref<128x128xf32, #tpu.memory_space<hbm>>)
        tpu.yield
      }) : () -> ()
      %add3A_37 = arith.constant 2 : i32
      %add3A_38 = arith.addi %mul3A_20, %add3A_37 : i32
      %lt3A = arith.constant 40 : i32
      %lt3A_39 = arith.cmpi slt, %add3A_38, %lt3A : i32
      %convert_element_type3A = arith.extui %lt3A_39 : i1 to i32
      %cond3A = arith.constant 0 : i32
      %cond3A_40 = arith.cmpi ne, %convert_element_type3A, %cond3A : i32
      scf.if %cond3A_40 {
        %add3A_55 = arith.constant 2 : i32
        %add3A_56 = arith.addi %mul3A_20, %add3A_55 : i32
        %dma_start3A_57 = arith.constant 0 : i32
        %dma_start3A_58 = tpu.memref_slice %arg5[%add3A_56, %dma_start3A_57] : memref<40x128xi32, #tpu.memory_space<vmem>> -> memref<1x128xi32, #tpu.memory_space<vmem>>
        %dma_start3A_59 = tpu.memref_squeeze %dma_start3A_58 : memref<1x128xi32, #tpu.memory_space<vmem>> -> memref<128xi32, #tpu.memory_space<vmem>>
        %dma_start3A_60 = arith.constant 0 : i32
        %dma_start3A_61 = arith.constant 0 : i32
        %dma_start3A_62 = tpu.memref_slice %arg2[%dma_start3A_60, %dma_start3A_61] : memref<10000x128xf32, #tpu.memory_space<hbm>> -> memref<10000x128xf32, #tpu.memory_space<hbm>>
        tpu.enqueue_indirect_dma source(%dma_start3A_62 : memref<10000x128xf32, #tpu.memory_space<hbm>>) target(%arg6 : memref<128x128xf32, #tpu.memory_space<vmem>>) offsets(%dma_start3A_59 : memref<128xi32, #tpu.memory_space<vmem>>) semaphore(%arg8 : memref<!tpu.dma_semaphore, #tpu.memory_space<semaphore_mem>>)
      } else {
      }
      %add3A_41 = arith.constant 1 : i32
      %add3A_42 = arith.addi %mul3A_20, %add3A_41 : i32
      %dma_wait3A_43 = arith.constant 0 : i32
      %dma_wait3A_44 = tpu.memref_slice %arg5[%add3A_42, %dma_wait3A_43] : memref<40x128xi32, #tpu.memory_space<vmem>> -> memref<1x128xi32, #tpu.memory_space<vmem>>
      %dma_wait3A_45 = tpu.memref_squeeze %dma_wait3A_44 : memref<1x128xi32, #tpu.memory_space<vmem>> -> memref<128xi32, #tpu.memory_space<vmem>>
      %dma_wait3A_46 = arith.constant 0 : i32
      %dma_wait3A_47 = arith.constant 0 : i32
      %dma_wait3A_48 = tpu.memref_slice %arg2[%dma_wait3A_46, %dma_wait3A_47] : memref<10000x128xf32, #tpu.memory_space<hbm>> -> memref<10000x128xf32, #tpu.memory_space<hbm>>
      tpu.wait_indirect_dma semaphore(%arg9 : memref<!tpu.dma_semaphore, #tpu.memory_space<semaphore_mem>>) src(%dma_wait3A_48 : memref<10000x128xf32, #tpu.memory_space<hbm>>) dst(%arg7 : memref<128x128xf32, #tpu.memory_space<vmem>>)
      %add3A_49 = arith.constant 1 : i32
      %add3A_50 = arith.addi %mul3A_20, %add3A_49 : i32
      %mul3A_51 = arith.constant 128 : i32
      %mul3A_52 = arith.muli %add3A_50, %mul3A_51 : i32
      %add3A_53 = arith.addi %mul3A_4, %mul3A_52 : i32
      "tpu.region"() ({
        %run_scoped3A = tpu.sem_alloc : memref<!tpu.dma_semaphore, #tpu.memory_space<semaphore_mem>>
        %dma_start3A_55 = arith.constant 0 : i32
        %dma_start3A_56 = tpu.memref_slice %arg4[%add3A_53, %dma_start3A_55] : memref<163840x128xf32, #tpu.memory_space<hbm>> -> memref<128x128xf32, #tpu.memory_space<hbm>>
        %dma_start3A_57 = arith.constant 0 : i32
        %dma_start3A_58 = tpu.memref_slice %arg4[%add3A_53, %dma_start3A_57] : memref<163840x128xf32, #tpu.memory_space<hbm>> -> memref<128x128xf32, #tpu.memory_space<hbm>>
        tpu.enqueue_dma source(%arg7 : memref<128x128xf32, #tpu.memory_space<vmem>>) target(%dma_start3A_58 : memref<128x128xf32, #tpu.memory_space<hbm>>) target_semaphore(%run_scoped3A : memref<!tpu.dma_semaphore, #tpu.memory_space<semaphore_mem>>)
        %dma_wait3A_59 = arith.constant 0 : i32
        %dma_wait3A_60 = tpu.memref_slice %arg4[%add3A_53, %dma_wait3A_59] : memref<163840x128xf32, #tpu.memory_space<hbm>> -> memref<128x128xf32, #tpu.memory_space<hbm>>
        %dma_wait3A_61 = arith.constant 0 : i32
        %dma_wait3A_62 = tpu.memref_slice %arg4[%add3A_53, %dma_wait3A_61] : memref<163840x128xf32, #tpu.memory_space<hbm>> -> memref<128x128xf32, #tpu.memory_space<hbm>>
        tpu.wait_dma2 semaphore(%run_scoped3A : memref<!tpu.dma_semaphore, #tpu.memory_space<semaphore_mem>>) src(%arg7 : memref<128x128xf32, #tpu.memory_space<vmem>>) dst(%dma_wait3A_62 : memref<128x128xf32, #tpu.memory_space<hbm>>)
        tpu.yield
      }) : () -> ()
      %scan3A_54 = arith.constant 0 : i32
      scf.yield %scan3A_54 : i32
    }
    %scan3A_16 = arith.constant 20 : i32
    return
  }
}

module attributes {stable_mosaic.version = 14 : i64} {
  func.func @body(%arg0: i32, %arg1: memref<1000x128xf32, #tpu.memory_space<vmem>>, %arg2: memref<128x128xf32, #tpu.memory_space<vmem>>, %arg3: memref<1x128xf32, #tpu.memory_space<vmem>>, %arg4: memref<128x128xf32, #tpu.memory_space<vmem>>, %arg5: memref<1x128xf32, #tpu.memory_space<vmem>>, %arg6: memref<128x128xf32, #tpu.memory_space<vmem>>, %arg7: memref<128x128xf32, #tpu.memory_space<vmem>>, %arg8: memref<128x128xf32, #tpu.memory_space<vmem>>, %arg9: memref<128x128xf32, #tpu.memory_space<vmem>>, %arg10: memref<1000x128xf32, #tpu.memory_space<vmem>>, %arg11: memref<1000x128xf32, #tpu.memory_space<vmem>>, %arg12: memref<1000x128xf32, #tpu.memory_space<vmem>>, %arg13: memref<1000x128xf32, #tpu.memory_space<vmem>>) attributes {dimension_semantics = [#tpu.dimension_semantics<arbitrary>], iteration_bounds = array<i64: 10>, scalar_prefetch = 0 : i64, scratch_operands = 0 : i64, tpu.core_type = #tpu.core_type<tc>, window_params = [{transform_indices = @transform_0, window_bounds = array<i64: 1000, 128>}, {pipeline_mode = #tpu.pipeline_mode<synchronous>, transform_indices = @transform_1, window_bounds = array<i64: 128, 128>}, {pipeline_mode = #tpu.pipeline_mode<synchronous>, transform_indices = @transform_2, window_bounds = array<i64: 1, 128>}, {pipeline_mode = #tpu.pipeline_mode<synchronous>, transform_indices = @transform_3, window_bounds = array<i64: 128, 128>}, {pipeline_mode = #tpu.pipeline_mode<synchronous>, transform_indices = @transform_4, window_bounds = array<i64: 1, 128>}, {pipeline_mode = #tpu.pipeline_mode<synchronous>, transform_indices = @transform_5, window_bounds = array<i64: 128, 128>}, {pipeline_mode = #tpu.pipeline_mode<synchronous>, transform_indices = @transform_6, window_bounds = array<i64: 128, 128>}, {pipeline_mode = #tpu.pipeline_mode<synchronous>, transform_indices = @transform_7, window_bounds = array<i64: 128, 128>}, {pipeline_mode = #tpu.pipeline_mode<synchronous>, transform_indices = @transform_8, window_bounds = array<i64: 128, 128>}, {transform_indices = @transform_9, window_bounds = array<i64: 1000, 128>}, {transform_indices = @transform_10, window_bounds = array<i64: 1000, 128>}, {transform_indices = @transform_11, window_bounds = array<i64: 1000, 128>}, {transform_indices = @transform_12, window_bounds = array<i64: 1000, 128>}]} {
    %get3A = arith.constant 0 : index
    %get3A_0 = arith.constant 0 : index
    %get3A_1 = vector.load %arg1[%get3A, %get3A_0] : memref<1000x128xf32, #tpu.memory_space<vmem>>, vector<1000x128xf32>
    %get3A_2 = arith.constant 0 : index
    %get3A_3 = arith.constant 0 : index
    %get3A_4 = vector.load %arg2[%get3A_2, %get3A_3] : memref<128x128xf32, #tpu.memory_space<vmem>>, vector<128x128xf32>
    %dot_general3A = arith.constant dense<0.000000e+00> : vector<1000x128xf32>
    %dot_general3A_5 = tpu.matmul %get3A_1, %get3A_4, %dot_general3A {dimension_numbers = #tpu.dot_dimension_numbers<[1], [0], [0], [1], [0, 0, 1, 1], [], []>, transpose_lhs_hint = false} : vector<1000x128xf32>, vector<128x128xf32>, vector<1000x128xf32> -> vector<1000x128xf32>
    %get3A_6 = arith.constant 0 : index
    %get3A_7 = arith.constant 0 : index
    %get3A_8 = vector.load %arg3[%get3A_6, %get3A_7] : memref<1x128xf32, #tpu.memory_space<vmem>>, vector<1x128xf32>
    %add3A = vector.broadcast %get3A_8 : vector<1x128xf32> to vector<1000x128xf32>
    %add3A_9 = arith.addf %dot_general3A_5, %add3A : vector<1000x128xf32>
    %max3A = arith.constant 0.000000e+00 : f32
    %max3A_10 = vector.broadcast %max3A : f32 to vector<1000x128xf32>
    %max3A_11 = arith.maximumf %add3A_9, %max3A_10 : vector<1000x128xf32>
    %get3A_12 = arith.constant 0 : index
    %get3A_13 = arith.constant 0 : index
    %get3A_14 = vector.load %arg4[%get3A_12, %get3A_13] : memref<128x128xf32, #tpu.memory_space<vmem>>, vector<128x128xf32>
    %dot_general3A_15 = arith.constant dense<0.000000e+00> : vector<1000x128xf32>
    %dot_general3A_16 = tpu.matmul %max3A_11, %get3A_14, %dot_general3A_15 {dimension_numbers = #tpu.dot_dimension_numbers<[1], [0], [0], [1], [0, 0, 1, 1], [], []>, transpose_lhs_hint = false} : vector<1000x128xf32>, vector<128x128xf32>, vector<1000x128xf32> -> vector<1000x128xf32>
    %get3A_17 = arith.constant 0 : index
    %get3A_18 = arith.constant 0 : index
    %get3A_19 = vector.load %arg5[%get3A_17, %get3A_18] : memref<1x128xf32, #tpu.memory_space<vmem>>, vector<1x128xf32>
    %add3A_20 = vector.broadcast %get3A_19 : vector<1x128xf32> to vector<1000x128xf32>
    %add3A_21 = arith.addf %dot_general3A_16, %add3A_20 : vector<1000x128xf32>
    %swap3A = arith.constant 0 : index
    %swap3A_22 = arith.constant 0 : index
    %swap3A_23 = vector.load %arg10[%swap3A, %swap3A_22] : memref<1000x128xf32, #tpu.memory_space<vmem>>, vector<1000x128xf32>
    tpu.vector_store %arg10[%swap3A, %swap3A_22], %add3A_21 {strides = array<i32>} : memref<1000x128xf32, #tpu.memory_space<vmem>>, vector<1000x128xf32>,
    %get3A_24 = arith.constant 0 : index
    %get3A_25 = arith.constant 0 : index
    %get3A_26 = vector.load %arg6[%get3A_24, %get3A_25] : memref<128x128xf32, #tpu.memory_space<vmem>>, vector<128x128xf32>
    %dot_general3A_27 = arith.constant dense<0.000000e+00> : vector<1000x128xf32>
    %dot_general3A_28 = tpu.matmul %add3A_21, %get3A_26, %dot_general3A_27 {dimension_numbers = #tpu.dot_dimension_numbers<[1], [0], [0], [1], [0, 0, 1, 1], [], []>, transpose_lhs_hint = false} : vector<1000x128xf32>, vector<128x128xf32>, vector<1000x128xf32> -> vector<1000x128xf32>
    %swap3A_29 = arith.constant 0 : index
    %swap3A_30 = arith.constant 0 : index
    %swap3A_31 = vector.load %arg11[%swap3A_29, %swap3A_30] : memref<1000x128xf32, #tpu.memory_space<vmem>>, vector<1000x128xf32>
    tpu.vector_store %arg11[%swap3A_29, %swap3A_30], %dot_general3A_28 {strides = array<i32>} : memref<1000x128xf32, #tpu.memory_space<vmem>>, vector<1000x128xf32>,
    %get3A_32 = arith.constant 0 : index
    %get3A_33 = arith.constant 0 : index
    %get3A_34 = vector.load %arg7[%get3A_32, %get3A_33] : memref<128x128xf32, #tpu.memory_space<vmem>>, vector<128x128xf32>
    %dot_general3A_35 = arith.constant dense<0.000000e+00> : vector<1000x128xf32>
    %dot_general3A_36 = tpu.matmul %add3A_21, %get3A_34, %dot_general3A_35 {dimension_numbers = #tpu.dot_dimension_numbers<[1], [0], [0], [1], [0, 0, 1, 1], [], []>, transpose_lhs_hint = false} : vector<1000x128xf32>, vector<128x128xf32>, vector<1000x128xf32> -> vector<1000x128xf32>
    %swap3A_37 = arith.constant 0 : index
    %swap3A_38 = arith.constant 0 : index
    %swap3A_39 = vector.load %arg12[%swap3A_37, %swap3A_38] : memref<1000x128xf32, #tpu.memory_space<vmem>>, vector<1000x128xf32>
    tpu.vector_store %arg12[%swap3A_37, %swap3A_38], %dot_general3A_36 {strides = array<i32>} : memref<1000x128xf32, #tpu.memory_space<vmem>>, vector<1000x128xf32>,
    %get3A_40 = arith.constant 0 : index
    %get3A_41 = arith.constant 0 : index
    %get3A_42 = vector.load %arg8[%get3A_40, %get3A_41] : memref<128x128xf32, #tpu.memory_space<vmem>>, vector<128x128xf32>
    %dot_general3A_43 = arith.constant dense<0.000000e+00> : vector<1000x128xf32>
    %dot_general3A_44 = tpu.matmul %add3A_21, %get3A_42, %dot_general3A_43 {dimension_numbers = #tpu.dot_dimension_numbers<[1], [0], [0], [1], [0, 0, 1, 1], [], []>, transpose_lhs_hint = false} : vector<1000x128xf32>, vector<128x128xf32>, vector<1000x128xf32> -> vector<1000x128xf32>
    %get3A_45 = arith.constant 0 : index
    %get3A_46 = arith.constant 0 : index
    %get3A_47 = vector.load %arg9[%get3A_45, %get3A_46] : memref<128x128xf32, #tpu.memory_space<vmem>>, vector<128x128xf32>
    %dot_general3A_48 = arith.constant dense<0.000000e+00> : vector<1000x128xf32>
    %dot_general3A_49 = tpu.matmul %add3A_21, %get3A_47, %dot_general3A_48 {dimension_numbers = #tpu.dot_dimension_numbers<[1], [0], [0], [1], [0, 0, 1, 1], [], []>, transpose_lhs_hint = false} : vector<1000x128xf32>, vector<128x128xf32>, vector<1000x128xf32> -> vector<1000x128xf32>
    %bitcast_convert_type3A = tpu.bitcast %dot_general3A_49 : vector<1000x128xf32> -> vector<1000x128xi32>
    %add3A_50 = arith.constant 32767 : i32
    %add3A_51 = vector.broadcast %add3A_50 : i32 to vector<1000x128xi32>
    %add3A_52 = arith.addi %bitcast_convert_type3A, %add3A_51 : vector<1000x128xi32>
    %shift_right_logical3A = arith.constant 16 : i32
    %shift_right_logical3A_53 = vector.broadcast %shift_right_logical3A : i32 to vector<1000x128xi32>
    %shift_right_logical3A_54 = arith.shrui %bitcast_convert_type3A, %shift_right_logical3A_53 : vector<1000x128xi32>
    %and3A = arith.constant 1 : i32
    %and3A_55 = vector.broadcast %and3A : i32 to vector<1000x128xi32>
    %and3A_56 = arith.andi %shift_right_logical3A_54, %and3A_55 : vector<1000x128xi32>
    %add3A_57 = arith.addi %add3A_52, %and3A_56 : vector<1000x128xi32>
    %and3A_58 = arith.constant -65536 : i32
    %and3A_59 = vector.broadcast %and3A_58 : i32 to vector<1000x128xi32>
    %and3A_60 = arith.andi %add3A_57, %and3A_59 : vector<1000x128xi32>
    %bitcast_convert_type3A_61 = tpu.bitcast %dot_general3A_44 : vector<1000x128xf32> -> vector<1000x128xi32>
    %add3A_62 = arith.constant 32767 : i32
    %add3A_63 = vector.broadcast %add3A_62 : i32 to vector<1000x128xi32>
    %add3A_64 = arith.addi %bitcast_convert_type3A_61, %add3A_63 : vector<1000x128xi32>
    %shift_right_logical3A_65 = arith.constant 16 : i32
    %shift_right_logical3A_66 = vector.broadcast %shift_right_logical3A_65 : i32 to vector<1000x128xi32>
    %shift_right_logical3A_67 = arith.shrui %bitcast_convert_type3A_61, %shift_right_logical3A_66 : vector<1000x128xi32>
    %and3A_68 = arith.constant 1 : i32
    %and3A_69 = vector.broadcast %and3A_68 : i32 to vector<1000x128xi32>
    %and3A_70 = arith.andi %shift_right_logical3A_67, %and3A_69 : vector<1000x128xi32>
    %add3A_71 = arith.addi %add3A_64, %and3A_70 : vector<1000x128xi32>
    %and3A_72 = arith.constant -65536 : i32
    %and3A_73 = vector.broadcast %and3A_72 : i32 to vector<1000x128xi32>
    %and3A_74 = arith.andi %add3A_71, %and3A_73 : vector<1000x128xi32>
    %shift_right_logical3A_75 = arith.constant 16 : i32
    %shift_right_logical3A_76 = vector.broadcast %shift_right_logical3A_75 : i32 to vector<1000x128xi32>
    %shift_right_logical3A_77 = arith.shrui %and3A_74, %shift_right_logical3A_76 : vector<1000x128xi32>
    %or3A = arith.ori %and3A_60, %shift_right_logical3A_77 : vector<1000x128xi32>
    %bitcast_convert_type3A_78 = tpu.bitcast %or3A : vector<1000x128xi32> -> vector<1000x128xf32>
    %swap3A_79 = arith.constant 0 : index
    %swap3A_80 = arith.constant 0 : index
    %swap3A_81 = vector.load %arg13[%swap3A_79, %swap3A_80] : memref<1000x128xf32, #tpu.memory_space<vmem>>, vector<1000x128xf32>
    tpu.vector_store %arg13[%swap3A_79, %swap3A_80], %bitcast_convert_type3A_78 {strides = array<i32>} : memref<1000x128xf32, #tpu.memory_space<vmem>>, vector<1000x128xf32>,
    return
  }
  func.func @transform_0(%arg0: i32) -> (i32, i32) {
    %c0_i32 = arith.constant 0 : i32
    %c0_i32_0 = arith.constant 0 : i32
    return %arg0, %c0_i32 : i32, i32
  }
  func.func @transform_1(%arg0: i32) -> (i32, i32) {
    %c0_i32 = arith.constant 0 : i32
    %c0_i32_0 = arith.constant 0 : i32
    %c0_i32_1 = arith.constant 0 : i32
    return %c0_i32, %c0_i32_0 : i32, i32
  }
  func.func @transform_2(%arg0: i32) -> (i32, i32) {
    %c0_i32 = arith.constant 0 : i32
    %c0_i32_0 = arith.constant 0 : i32
    %c0_i32_1 = arith.constant 0 : i32
    return %c0_i32, %c0_i32_0 : i32, i32
  }
  func.func @transform_3(%arg0: i32) -> (i32, i32) {
    %c0_i32 = arith.constant 0 : i32
    %c0_i32_0 = arith.constant 0 : i32
    %c0_i32_1 = arith.constant 0 : i32
    return %c0_i32, %c0_i32_0 : i32, i32
  }
  func.func @transform_4(%arg0: i32) -> (i32, i32) {
    %c0_i32 = arith.constant 0 : i32
    %c0_i32_0 = arith.constant 0 : i32
    %c0_i32_1 = arith.constant 0 : i32
    return %c0_i32, %c0_i32_0 : i32, i32
  }
  func.func @transform_5(%arg0: i32) -> (i32, i32) {
    %c0_i32 = arith.constant 0 : i32
    %c0_i32_0 = arith.constant 0 : i32
    %c0_i32_1 = arith.constant 0 : i32
    return %c0_i32, %c0_i32_0 : i32, i32
  }
  func.func @transform_6(%arg0: i32) -> (i32, i32) {
    %c0_i32 = arith.constant 0 : i32
    %c0_i32_0 = arith.constant 0 : i32
    %c0_i32_1 = arith.constant 0 : i32
    return %c0_i32, %c0_i32_0 : i32, i32
  }
  func.func @transform_7(%arg0: i32) -> (i32, i32) {
    %c0_i32 = arith.constant 0 : i32
    %c0_i32_0 = arith.constant 0 : i32
    %c0_i32_1 = arith.constant 0 : i32
    return %c0_i32, %c0_i32_0 : i32, i32
  }
  func.func @transform_8(%arg0: i32) -> (i32, i32) {
    %c0_i32 = arith.constant 0 : i32
    %c0_i32_0 = arith.constant 0 : i32
    %c0_i32_1 = arith.constant 0 : i32
    return %c0_i32, %c0_i32_0 : i32, i32
  }
  func.func @transform_9(%arg0: i32) -> (i32, i32) {
    %c0_i32 = arith.constant 0 : i32
    %c0_i32_0 = arith.constant 0 : i32
    return %arg0, %c0_i32 : i32, i32
  }
  func.func @transform_10(%arg0: i32) -> (i32, i32) {
    %c0_i32 = arith.constant 0 : i32
    %c0_i32_0 = arith.constant 0 : i32
    return %arg0, %c0_i32 : i32, i32
  }
  func.func @transform_11(%arg0: i32) -> (i32, i32) {
    %c0_i32 = arith.constant 0 : i32
    %c0_i32_0 = arith.constant 0 : i32
    return %arg0, %c0_i32 : i32, i32
  }
  func.func @transform_12(%arg0: i32) -> (i32, i32) {
    %c0_i32 = arith.constant 0 : i32
    %c0_i32_0 = arith.constant 0 : i32
    return %arg0, %c0_i32 : i32, i32
  }
}

module attributes {stable_mosaic.version = 14 : i64} {
  func.func @_agg_body(%arg0: i32, %arg1: memref<200x128xf32, #tpu.memory_space<vmem>>, %arg2: memref<200x128xf32, #tpu.memory_space<vmem>>, %arg3: memref<3200x128xf32, #tpu.memory_space<vmem>>, %arg4: memref<3200x128xf32, #tpu.memory_space<vmem>>, %arg5: memref<200x128xf32, #tpu.memory_space<vmem>>, %arg6: memref<128x128xf32, #tpu.memory_space<vmem>>, %arg7: memref<128x128xf32, #tpu.memory_space<vmem>>, %arg8: memref<1x128xf32, #tpu.memory_space<vmem>>, %arg9: memref<1x128xf32, #tpu.memory_space<vmem>>, %arg10: memref<1x128xf32, #tpu.memory_space<vmem>>, %arg11: memref<1x128xf32, #tpu.memory_space<vmem>>, %arg12: memref<1x128xf32, #tpu.memory_space<vmem>>, %arg13: memref<128x64xf32, #tpu.memory_space<vmem>>, %arg14: memref<1x64xf32, #tpu.memory_space<vmem>>, %arg15: memref<1x64xf32, #tpu.memory_space<vmem>>, %arg16: memref<128x64xf32, #tpu.memory_space<vmem>>, %arg17: memref<1x64xf32, #tpu.memory_space<vmem>>, %arg18: memref<1x64xf32, #tpu.memory_space<vmem>>, %arg19: memref<200x384xf32, #tpu.memory_space<vmem>>) attributes {dimension_semantics = [#tpu.dimension_semantics<arbitrary>], iteration_bounds = array<i64: 25>, scalar_prefetch = 0 : i64, scratch_operands = 0 : i64, tpu.core_type = #tpu.core_type<tc>, window_params = [{transform_indices = @transform_0, window_bounds = array<i64: 200, 128>}, {transform_indices = @transform_1, window_bounds = array<i64: 200, 128>}, {transform_indices = @transform_2, window_bounds = array<i64: 3200, 128>}, {transform_indices = @transform_3, window_bounds = array<i64: 3200, 128>}, {transform_indices = @transform_4, window_bounds = array<i64: 200, 128>}, {pipeline_mode = #tpu.pipeline_mode<synchronous>, transform_indices = @transform_5, window_bounds = array<i64: 128, 128>}, {pipeline_mode = #tpu.pipeline_mode<synchronous>, transform_indices = @transform_6, window_bounds = array<i64: 128, 128>}, {pipeline_mode = #tpu.pipeline_mode<synchronous>, transform_indices = @transform_7, window_bounds = array<i64: 1, 128>}, {pipeline_mode = #tpu.pipeline_mode<synchronous>, transform_indices = @transform_8, window_bounds = array<i64: 1, 128>}, {pipeline_mode = #tpu.pipeline_mode<synchronous>, transform_indices = @transform_9, window_bounds = array<i64: 1, 128>}, {pipeline_mode = #tpu.pipeline_mode<synchronous>, transform_indices = @transform_10, window_bounds = array<i64: 1, 128>}, {pipeline_mode = #tpu.pipeline_mode<synchronous>, transform_indices = @transform_11, window_bounds = array<i64: 1, 128>}, {pipeline_mode = #tpu.pipeline_mode<synchronous>, transform_indices = @transform_12, window_bounds = array<i64: 128, 64>}, {pipeline_mode = #tpu.pipeline_mode<synchronous>, transform_indices = @transform_13, window_bounds = array<i64: 1, 64>}, {pipeline_mode = #tpu.pipeline_mode<synchronous>, transform_indices = @transform_14, window_bounds = array<i64: 1, 64>}, {pipeline_mode = #tpu.pipeline_mode<synchronous>, transform_indices = @transform_15, window_bounds = array<i64: 128, 64>}, {pipeline_mode = #tpu.pipeline_mode<synchronous>, transform_indices = @transform_16, window_bounds = array<i64: 1, 64>}, {pipeline_mode = #tpu.pipeline_mode<synchronous>, transform_indices = @transform_17, window_bounds = array<i64: 1, 64>}, {transform_indices = @transform_18, window_bounds = array<i64: 200, 384>}]} {
    %get3A = arith.constant 0 : index
    %get3A_0 = arith.constant 0 : index
    %get3A_1 = vector.load %arg1[%get3A, %get3A_0] : memref<200x128xf32, #tpu.memory_space<vmem>>, vector<200x128xf32>
    %get3A_2 = arith.constant 0 : index
    %get3A_3 = arith.constant 0 : index
    %get3A_4 = vector.load %arg2[%get3A_2, %get3A_3] : memref<200x128xf32, #tpu.memory_space<vmem>>, vector<200x128xf32>
    %get3A_5 = arith.constant 0 : index
    %get3A_6 = arith.constant 0 : index
    %get3A_7 = vector.load %arg3[%get3A_5, %get3A_6] : memref<3200x128xf32, #tpu.memory_space<vmem>>, vector<3200x128xf32>
    %bitcast_convert_type3A = tpu.bitcast %get3A_7 : vector<3200x128xf32> -> vector<3200x128xi32>
    %shift_left3A = arith.constant 16 : i32
    %shift_left3A_8 = vector.broadcast %shift_left3A : i32 to vector<3200x128xi32>
    %shift_left3A_9 = arith.shli %bitcast_convert_type3A, %shift_left3A_8 : vector<3200x128xi32>
    %bitcast_convert_type3A_10 = tpu.bitcast %shift_left3A_9 : vector<3200x128xi32> -> vector<3200x128xf32>
    %reshape3A = vector.shape_cast %bitcast_convert_type3A_10 : vector<3200x128xf32> to vector<200x16x128xf32>
    %and3A = arith.constant -65536 : i32
    %and3A_11 = vector.broadcast %and3A : i32 to vector<3200x128xi32>
    %and3A_12 = arith.andi %bitcast_convert_type3A, %and3A_11 : vector<3200x128xi32>
    %bitcast_convert_type3A_13 = tpu.bitcast %and3A_12 : vector<3200x128xi32> -> vector<3200x128xf32>
    %reshape3A_14 = vector.shape_cast %bitcast_convert_type3A_13 : vector<3200x128xf32> to vector<200x16x128xf32>
    %broadcast_in_dim3A = vector.shape_cast %get3A_1 : vector<200x128xf32> to vector<200x1x128xf32>
    %add3A = vector.broadcast %broadcast_in_dim3A : vector<200x1x128xf32> to vector<200x16x128xf32>
    %add3A_15 = arith.addf %reshape3A, %add3A : vector<200x16x128xf32>
    %get3A_16 = arith.constant 0 : index
    %get3A_17 = arith.constant 0 : index
    %get3A_18 = vector.load %arg9[%get3A_16, %get3A_17] : memref<1x128xf32, #tpu.memory_space<vmem>>, vector<1x128xf32>
    %broadcast_in_dim3A_19 = vector.shape_cast %get3A_18 : vector<1x128xf32> to vector<1x1x128xf32>
    %add3A_20 = vector.broadcast %broadcast_in_dim3A_19 : vector<1x1x128xf32> to vector<200x16x128xf32>
    %add3A_21 = arith.addf %add3A_15, %add3A_20 : vector<200x16x128xf32>
    %max3A = arith.constant 0.000000e+00 : f32
    %max3A_22 = vector.broadcast %max3A : f32 to vector<200x16x128xf32>
    %max3A_23 = arith.maximumf %add3A_21, %max3A_22 : vector<200x16x128xf32>
    %broadcast_in_dim3A_24 = vector.shape_cast %get3A_4 : vector<200x128xf32> to vector<200x1x128xf32>
    %add3A_25 = vector.broadcast %broadcast_in_dim3A_24 : vector<200x1x128xf32> to vector<200x16x128xf32>
    %add3A_26 = arith.addf %reshape3A_14, %add3A_25 : vector<200x16x128xf32>
    %get3A_27 = arith.constant 0 : index
    %get3A_28 = arith.constant 0 : index
    %get3A_29 = vector.load %arg10[%get3A_27, %get3A_28] : memref<1x128xf32, #tpu.memory_space<vmem>>, vector<1x128xf32>
    %broadcast_in_dim3A_30 = vector.shape_cast %get3A_29 : vector<1x128xf32> to vector<1x1x128xf32>
    %add3A_31 = vector.broadcast %broadcast_in_dim3A_30 : vector<1x1x128xf32> to vector<200x16x128xf32>
    %add3A_32 = arith.addf %add3A_26, %add3A_31 : vector<200x16x128xf32>
    %max3A_33 = arith.constant 0.000000e+00 : f32
    %max3A_34 = vector.broadcast %max3A_33 : f32 to vector<200x16x128xf32>
    %max3A_35 = arith.maximumf %add3A_32, %max3A_34 : vector<200x16x128xf32>
    %reshape3A_36 = vector.shape_cast %max3A_23 : vector<200x16x128xf32> to vector<3200x128xf32>
    %get3A_37 = arith.constant 0 : index
    %get3A_38 = arith.constant 0 : index
    %get3A_39 = vector.load %arg6[%get3A_37, %get3A_38] : memref<128x128xf32, #tpu.memory_space<vmem>>, vector<128x128xf32>
    %dot_general3A = arith.constant dense<0.000000e+00> : vector<3200x128xf32>
    %dot_general3A_40 = tpu.matmul %reshape3A_36, %get3A_39, %dot_general3A {dimension_numbers = #tpu.dot_dimension_numbers<[1], [0], [0], [1], [0, 0, 1, 1], [], []>, transpose_lhs_hint = false} : vector<3200x128xf32>, vector<128x128xf32>, vector<3200x128xf32> -> vector<3200x128xf32>
    %reshape3A_41 = vector.shape_cast %max3A_35 : vector<200x16x128xf32> to vector<3200x128xf32>
    %get3A_42 = arith.constant 0 : index
    %get3A_43 = arith.constant 0 : index
    %get3A_44 = vector.load %arg7[%get3A_42, %get3A_43] : memref<128x128xf32, #tpu.memory_space<vmem>>, vector<128x128xf32>
    %dot_general3A_45 = arith.constant dense<0.000000e+00> : vector<3200x128xf32>
    %dot_general3A_46 = tpu.matmul %reshape3A_41, %get3A_44, %dot_general3A_45 {dimension_numbers = #tpu.dot_dimension_numbers<[1], [0], [0], [1], [0, 0, 1, 1], [], []>, transpose_lhs_hint = false} : vector<3200x128xf32>, vector<128x128xf32>, vector<3200x128xf32> -> vector<3200x128xf32>
    %add3A_47 = arith.addf %dot_general3A_40, %dot_general3A_46 : vector<3200x128xf32>
    %get3A_48 = arith.constant 0 : index
    %get3A_49 = arith.constant 0 : index
    %get3A_50 = vector.load %arg8[%get3A_48, %get3A_49] : memref<1x128xf32, #tpu.memory_space<vmem>>, vector<1x128xf32>
    %add3A_51 = vector.broadcast %get3A_50 : vector<1x128xf32> to vector<3200x128xf32>
    %add3A_52 = arith.addf %add3A_47, %add3A_51 : vector<3200x128xf32>
    %get3A_53 = arith.constant 0 : index
    %get3A_54 = arith.constant 0 : index
    %get3A_55 = vector.load %arg13[%get3A_53, %get3A_54] : memref<128x64xf32, #tpu.memory_space<vmem>>, vector<128x64xf32>
    %dot_general3A_56 = arith.constant dense<0.000000e+00> : vector<3200x64xf32>
    %dot_general3A_57 = tpu.matmul %add3A_52, %get3A_55, %dot_general3A_56 {dimension_numbers = #tpu.dot_dimension_numbers<[1], [0], [0], [1], [0, 0, 1, 1], [], []>, transpose_lhs_hint = false} : vector<3200x128xf32>, vector<128x64xf32>, vector<3200x64xf32> -> vector<3200x64xf32>
    %get3A_58 = arith.constant 0 : index
    %get3A_59 = arith.constant 0 : index
    %get3A_60 = vector.load %arg14[%get3A_58, %get3A_59] : memref<1x64xf32, #tpu.memory_space<vmem>>, vector<1x64xf32>
    %add3A_61 = vector.broadcast %get3A_60 : vector<1x64xf32> to vector<3200x64xf32>
    %add3A_62 = arith.addf %dot_general3A_57, %add3A_61 : vector<3200x64xf32>
    %tanh3A = math.tanh %add3A_62 : vector<3200x64xf32>
    %reshape3A_63 = vector.shape_cast %tanh3A : vector<3200x64xf32> to vector<200x16x64xf32>
    %get3A_64 = arith.constant 0 : index
    %get3A_65 = arith.constant 0 : index
    %get3A_66 = vector.load %arg15[%get3A_64, %get3A_65] : memref<1x64xf32, #tpu.memory_space<vmem>>, vector<1x64xf32>
    %broadcast_in_dim3A_67 = vector.shape_cast %get3A_66 : vector<1x64xf32> to vector<1x1x64xf32>
    %mul3A = vector.broadcast %broadcast_in_dim3A_67 : vector<1x1x64xf32> to vector<200x16x64xf32>
    %mul3A_68 = arith.mulf %reshape3A_63, %mul3A : vector<200x16x64xf32>
    %reduce_sum3A = arith.constant dense<0.000000e+00> : vector<200x16xf32>
    %reduce_sum3A_69 = vector.multi_reduction <add>, %mul3A_68, %reduce_sum3A [2] : vector<200x16x64xf32> to vector<200x16xf32>
    %reduce_max3A = arith.constant dense<0xFF800000> : vector<200xf32>
    %reduce_max3A_70 = vector.multi_reduction <maximumf>, %reduce_sum3A_69, %reduce_max3A [1] : vector<200x16xf32> to vector<200xf32>
    %broadcast_in_dim3A_71 = vector.shape_cast %reduce_max3A_70 : vector<200xf32> to vector<200x1xf32>
    %sub3A = vector.broadcast %broadcast_in_dim3A_71 : vector<200x1xf32> to vector<200x16xf32>
    %sub3A_72 = arith.subf %reduce_sum3A_69, %sub3A : vector<200x16xf32>
    %exp3A = math.exp %sub3A_72 : vector<200x16xf32>
    %reduce_sum3A_73 = arith.constant dense<0.000000e+00> : vector<200xf32>
    %reduce_sum3A_74 = vector.multi_reduction <add>, %exp3A, %reduce_sum3A_73 [1] : vector<200x16xf32> to vector<200xf32>
    %broadcast_in_dim3A_75 = vector.shape_cast %reduce_sum3A_74 : vector<200xf32> to vector<200x1xf32>
    %div3A = vector.broadcast %broadcast_in_dim3A_75 : vector<200x1xf32> to vector<200x16xf32>
    %div3A_76 = arith.divf %exp3A, %div3A : vector<200x16xf32>
    %reshape3A_77 = vector.shape_cast %add3A_52 : vector<3200x128xf32> to vector<200x16x128xf32>
    %broadcast_in_dim3A_78 = vector.shape_cast %div3A_76 : vector<200x16xf32> to vector<200x16x1xf32>
    %mul3A_79 = vector.broadcast %broadcast_in_dim3A_78 : vector<200x16x1xf32> to vector<200x16x128xf32>
    %mul3A_80 = arith.mulf %reshape3A_77, %mul3A_79 : vector<200x16x128xf32>
    %reduce_sum3A_81 = arith.constant dense<0.000000e+00> : vector<200x128xf32>
    %reduce_sum3A_82 = vector.multi_reduction <add>, %mul3A_80, %reduce_sum3A_81 [1] : vector<200x16x128xf32> to vector<200x128xf32>
    %get3A_83 = arith.constant 0 : index
    %get3A_84 = arith.constant 0 : index
    %get3A_85 = vector.load %arg4[%get3A_83, %get3A_84] : memref<3200x128xf32, #tpu.memory_space<vmem>>, vector<3200x128xf32>
    %bitcast_convert_type3A_86 = tpu.bitcast %get3A_85 : vector<3200x128xf32> -> vector<3200x128xi32>
    %shift_left3A_87 = arith.constant 16 : i32
    %shift_left3A_88 = vector.broadcast %shift_left3A_87 : i32 to vector<3200x128xi32>
    %shift_left3A_89 = arith.shli %bitcast_convert_type3A_86, %shift_left3A_88 : vector<3200x128xi32>
    %bitcast_convert_type3A_90 = tpu.bitcast %shift_left3A_89 : vector<3200x128xi32> -> vector<3200x128xf32>
    %reshape3A_91 = vector.shape_cast %bitcast_convert_type3A_90 : vector<3200x128xf32> to vector<200x16x128xf32>
    %and3A_92 = arith.constant -65536 : i32
    %and3A_93 = vector.broadcast %and3A_92 : i32 to vector<3200x128xi32>
    %and3A_94 = arith.andi %bitcast_convert_type3A_86, %and3A_93 : vector<3200x128xi32>
    %bitcast_convert_type3A_95 = tpu.bitcast %and3A_94 : vector<3200x128xi32> -> vector<3200x128xf32>
    %reshape3A_96 = vector.shape_cast %bitcast_convert_type3A_95 : vector<3200x128xf32> to vector<200x16x128xf32>
    %broadcast_in_dim3A_97 = vector.shape_cast %get3A_1 : vector<200x128xf32> to vector<200x1x128xf32>
    %add3A_98 = vector.broadcast %broadcast_in_dim3A_97 : vector<200x1x128xf32> to vector<200x16x128xf32>
    %add3A_99 = arith.addf %reshape3A_91, %add3A_98 : vector<200x16x128xf32>
    %get3A_100 = arith.constant 0 : index
    %get3A_101 = arith.constant 0 : index
    %get3A_102 = vector.load %arg11[%get3A_100, %get3A_101] : memref<1x128xf32, #tpu.memory_space<vmem>>, vector<1x128xf32>
    %broadcast_in_dim3A_103 = vector.shape_cast %get3A_102 : vector<1x128xf32> to vector<1x1x128xf32>
    %add3A_104 = vector.broadcast %broadcast_in_dim3A_103 : vector<1x1x128xf32> to vector<200x16x128xf32>
    %add3A_105 = arith.addf %add3A_99, %add3A_104 : vector<200x16x128xf32>
    %max3A_106 = arith.constant 0.000000e+00 : f32
    %max3A_107 = vector.broadcast %max3A_106 : f32 to vector<200x16x128xf32>
    %max3A_108 = arith.maximumf %add3A_105, %max3A_107 : vector<200x16x128xf32>
    %broadcast_in_dim3A_109 = vector.shape_cast %get3A_4 : vector<200x128xf32> to vector<200x1x128xf32>
    %add3A_110 = vector.broadcast %broadcast_in_dim3A_109 : vector<200x1x128xf32> to vector<200x16x128xf32>
    %add3A_111 = arith.addf %reshape3A_96, %add3A_110 : vector<200x16x128xf32>
    %get3A_112 = arith.constant 0 : index
    %get3A_113 = arith.constant 0 : index
    %get3A_114 = vector.load %arg12[%get3A_112, %get3A_113] : memref<1x128xf32, #tpu.memory_space<vmem>>, vector<1x128xf32>
    %broadcast_in_dim3A_115 = vector.shape_cast %get3A_114 : vector<1x128xf32> to vector<1x1x128xf32>
    %add3A_116 = vector.broadcast %broadcast_in_dim3A_115 : vector<1x1x128xf32> to vector<200x16x128xf32>
    %add3A_117 = arith.addf %add3A_111, %add3A_116 : vector<200x16x128xf32>
    %max3A_118 = arith.constant 0.000000e+00 : f32
    %max3A_119 = vector.broadcast %max3A_118 : f32 to vector<200x16x128xf32>
    %max3A_120 = arith.maximumf %add3A_117, %max3A_119 : vector<200x16x128xf32>
    %reshape3A_121 = vector.shape_cast %max3A_108 : vector<200x16x128xf32> to vector<3200x128xf32>
    %get3A_122 = arith.constant 0 : index
    %get3A_123 = arith.constant 0 : index
    %get3A_124 = vector.load %arg6[%get3A_122, %get3A_123] : memref<128x128xf32, #tpu.memory_space<vmem>>, vector<128x128xf32>
    %dot_general3A_125 = arith.constant dense<0.000000e+00> : vector<3200x128xf32>
    %dot_general3A_126 = tpu.matmul %reshape3A_121, %get3A_124, %dot_general3A_125 {dimension_numbers = #tpu.dot_dimension_numbers<[1], [0], [0], [1], [0, 0, 1, 1], [], []>, transpose_lhs_hint = false} : vector<3200x128xf32>, vector<128x128xf32>, vector<3200x128xf32> -> vector<3200x128xf32>
    %reshape3A_127 = vector.shape_cast %max3A_120 : vector<200x16x128xf32> to vector<3200x128xf32>
    %get3A_128 = arith.constant 0 : index
    %get3A_129 = arith.constant 0 : index
    %get3A_130 = vector.load %arg7[%get3A_128, %get3A_129] : memref<128x128xf32, #tpu.memory_space<vmem>>, vector<128x128xf32>
    %dot_general3A_131 = arith.constant dense<0.000000e+00> : vector<3200x128xf32>
    %dot_general3A_132 = tpu.matmul %reshape3A_127, %get3A_130, %dot_general3A_131 {dimension_numbers = #tpu.dot_dimension_numbers<[1], [0], [0], [1], [0, 0, 1, 1], [], []>, transpose_lhs_hint = false} : vector<3200x128xf32>, vector<128x128xf32>, vector<3200x128xf32> -> vector<3200x128xf32>
    %add3A_133 = arith.addf %dot_general3A_126, %dot_general3A_132 : vector<3200x128xf32>
    %get3A_134 = arith.constant 0 : index
    %get3A_135 = arith.constant 0 : index
    %get3A_136 = vector.load %arg8[%get3A_134, %get3A_135] : memref<1x128xf32, #tpu.memory_space<vmem>>, vector<1x128xf32>
    %add3A_137 = vector.broadcast %get3A_136 : vector<1x128xf32> to vector<3200x128xf32>
    %add3A_138 = arith.addf %add3A_133, %add3A_137 : vector<3200x128xf32>
    %get3A_139 = arith.constant 0 : index
    %get3A_140 = arith.constant 0 : index
    %get3A_141 = vector.load %arg16[%get3A_139, %get3A_140] : memref<128x64xf32, #tpu.memory_space<vmem>>, vector<128x64xf32>
    %dot_general3A_142 = arith.constant dense<0.000000e+00> : vector<3200x64xf32>
    %dot_general3A_143 = tpu.matmul %add3A_138, %get3A_141, %dot_general3A_142 {dimension_numbers = #tpu.dot_dimension_numbers<[1], [0], [0], [1], [0, 0, 1, 1], [], []>, transpose_lhs_hint = false} : vector<3200x128xf32>, vector<128x64xf32>, vector<3200x64xf32> -> vector<3200x64xf32>
    %get3A_144 = arith.constant 0 : index
    %get3A_145 = arith.constant 0 : index
    %get3A_146 = vector.load %arg17[%get3A_144, %get3A_145] : memref<1x64xf32, #tpu.memory_space<vmem>>, vector<1x64xf32>
    %add3A_147 = vector.broadcast %get3A_146 : vector<1x64xf32> to vector<3200x64xf32>
    %add3A_148 = arith.addf %dot_general3A_143, %add3A_147 : vector<3200x64xf32>
    %tanh3A_149 = math.tanh %add3A_148 : vector<3200x64xf32>
    %reshape3A_150 = vector.shape_cast %tanh3A_149 : vector<3200x64xf32> to vector<200x16x64xf32>
    %get3A_151 = arith.constant 0 : index
    %get3A_152 = arith.constant 0 : index
    %get3A_153 = vector.load %arg18[%get3A_151, %get3A_152] : memref<1x64xf32, #tpu.memory_space<vmem>>, vector<1x64xf32>
    %broadcast_in_dim3A_154 = vector.shape_cast %get3A_153 : vector<1x64xf32> to vector<1x1x64xf32>
    %mul3A_155 = vector.broadcast %broadcast_in_dim3A_154 : vector<1x1x64xf32> to vector<200x16x64xf32>
    %mul3A_156 = arith.mulf %reshape3A_150, %mul3A_155 : vector<200x16x64xf32>
    %reduce_sum3A_157 = arith.constant dense<0.000000e+00> : vector<200x16xf32>
    %reduce_sum3A_158 = vector.multi_reduction <add>, %mul3A_156, %reduce_sum3A_157 [2] : vector<200x16x64xf32> to vector<200x16xf32>
    %reduce_max3A_159 = arith.constant dense<0xFF800000> : vector<200xf32>
    %reduce_max3A_160 = vector.multi_reduction <maximumf>, %reduce_sum3A_158, %reduce_max3A_159 [1] : vector<200x16xf32> to vector<200xf32>
    %broadcast_in_dim3A_161 = vector.shape_cast %reduce_max3A_160 : vector<200xf32> to vector<200x1xf32>
    %sub3A_162 = vector.broadcast %broadcast_in_dim3A_161 : vector<200x1xf32> to vector<200x16xf32>
    %sub3A_163 = arith.subf %reduce_sum3A_158, %sub3A_162 : vector<200x16xf32>
    %exp3A_164 = math.exp %sub3A_163 : vector<200x16xf32>
    %reduce_sum3A_165 = arith.constant dense<0.000000e+00> : vector<200xf32>
    %reduce_sum3A_166 = vector.multi_reduction <add>, %exp3A_164, %reduce_sum3A_165 [1] : vector<200x16xf32> to vector<200xf32>
    %broadcast_in_dim3A_167 = vector.shape_cast %reduce_sum3A_166 : vector<200xf32> to vector<200x1xf32>
    %div3A_168 = vector.broadcast %broadcast_in_dim3A_167 : vector<200x1xf32> to vector<200x16xf32>
    %div3A_169 = arith.divf %exp3A_164, %div3A_168 : vector<200x16xf32>
    %reshape3A_170 = vector.shape_cast %add3A_138 : vector<3200x128xf32> to vector<200x16x128xf32>
    %broadcast_in_dim3A_171 = vector.shape_cast %div3A_169 : vector<200x16xf32> to vector<200x16x1xf32>
    %mul3A_172 = vector.broadcast %broadcast_in_dim3A_171 : vector<200x16x1xf32> to vector<200x16x128xf32>
    %mul3A_173 = arith.mulf %reshape3A_170, %mul3A_172 : vector<200x16x128xf32>
    %reduce_sum3A_174 = arith.constant dense<0.000000e+00> : vector<200x128xf32>
    %reduce_sum3A_175 = vector.multi_reduction <add>, %mul3A_173, %reduce_sum3A_174 [1] : vector<200x16x128xf32> to vector<200x128xf32>
    %get3A_176 = arith.constant 0 : index
    %get3A_177 = arith.constant 0 : index
    %get3A_178 = vector.load %arg5[%get3A_176, %get3A_177] : memref<200x128xf32, #tpu.memory_space<vmem>>, vector<200x128xf32>
    %concatenate3A = tpu.concatenate %get3A_178, %reduce_sum3A_82, %reduce_sum3A_175 in 1 : vector<200x128xf32>, vector<200x128xf32>, vector<200x128xf32> -> vector<200x384xf32>
    %swap3A = arith.constant 0 : index
    %swap3A_179 = arith.constant 0 : index
    %swap3A_180 = vector.load %arg19[%swap3A, %swap3A_179] : memref<200x384xf32, #tpu.memory_space<vmem>>, vector<200x384xf32>
    tpu.vector_store %arg19[%swap3A, %swap3A_179], %concatenate3A {strides = array<i32>} : memref<200x384xf32, #tpu.memory_space<vmem>>, vector<200x384xf32>,
    return
  }
  func.func @transform_0(%arg0: i32) -> (i32, i32) {
    %c0_i32 = arith.constant 0 : i32
    %c0_i32_0 = arith.constant 0 : i32
    return %arg0, %c0_i32 : i32, i32
  }
  func.func @transform_1(%arg0: i32) -> (i32, i32) {
    %c0_i32 = arith.constant 0 : i32
    %c0_i32_0 = arith.constant 0 : i32
    return %arg0, %c0_i32 : i32, i32
  }
  func.func @transform_2(%arg0: i32) -> (i32, i32) {
    %c0_i32 = arith.constant 0 : i32
    %c0_i32_0 = arith.constant 0 : i32
    return %arg0, %c0_i32 : i32, i32
  }
  func.func @transform_3(%arg0: i32) -> (i32, i32) {
    %c0_i32 = arith.constant 0 : i32
    %c0_i32_0 = arith.constant 0 : i32
    return %arg0, %c0_i32 : i32, i32
  }
  func.func @transform_4(%arg0: i32) -> (i32, i32) {
    %c0_i32 = arith.constant 0 : i32
    %c0_i32_0 = arith.constant 0 : i32
    return %arg0, %c0_i32 : i32, i32
  }
  func.func @transform_5(%arg0: i32) -> (i32, i32) {
    %c0_i32 = arith.constant 0 : i32
    %c0_i32_0 = arith.constant 0 : i32
    %c0_i32_1 = arith.constant 0 : i32
    return %c0_i32, %c0_i32_0 : i32, i32
  }
  func.func @transform_6(%arg0: i32) -> (i32, i32) {
    %c0_i32 = arith.constant 0 : i32
    %c0_i32_0 = arith.constant 0 : i32
    %c0_i32_1 = arith.constant 0 : i32
    return %c0_i32, %c0_i32_0 : i32, i32
  }
  func.func @transform_7(%arg0: i32) -> (i32, i32) {
    %c0_i32 = arith.constant 0 : i32
    %c0_i32_0 = arith.constant 0 : i32
    %c0_i32_1 = arith.constant 0 : i32
    return %c0_i32, %c0_i32_0 : i32, i32
  }
  func.func @transform_8(%arg0: i32) -> (i32, i32) {
    %c0_i32 = arith.constant 0 : i32
    %c0_i32_0 = arith.constant 0 : i32
    %c0_i32_1 = arith.constant 0 : i32
    return %c0_i32, %c0_i32_0 : i32, i32
  }
  func.func @transform_9(%arg0: i32) -> (i32, i32) {
    %c0_i32 = arith.constant 0 : i32
    %c0_i32_0 = arith.constant 0 : i32
    %c0_i32_1 = arith.constant 0 : i32
    return %c0_i32, %c0_i32_0 : i32, i32
  }
  func.func @transform_10(%arg0: i32) -> (i32, i32) {
    %c0_i32 = arith.constant 0 : i32
    %c0_i32_0 = arith.constant 0 : i32
    %c0_i32_1 = arith.constant 0 : i32
    return %c0_i32, %c0_i32_0 : i32, i32
  }
  func.func @transform_11(%arg0: i32) -> (i32, i32) {
    %c0_i32 = arith.constant 0 : i32
    %c0_i32_0 = arith.constant 0 : i32
    %c0_i32_1 = arith.constant 0 : i32
    return %c0_i32, %c0_i32_0 : i32, i32
  }
  func.func @transform_12(%arg0: i32) -> (i32, i32) {
    %c0_i32 = arith.constant 0 : i32
    %c0_i32_0 = arith.constant 0 : i32
    %c0_i32_1 = arith.constant 0 : i32
    return %c0_i32, %c0_i32_0 : i32, i32
  }
  func.func @transform_13(%arg0: i32) -> (i32, i32) {
    %c0_i32 = arith.constant 0 : i32
    %c0_i32_0 = arith.constant 0 : i32
    %c0_i32_1 = arith.constant 0 : i32
    return %c0_i32, %c0_i32_0 : i32, i32
  }
  func.func @transform_14(%arg0: i32) -> (i32, i32) {
    %c0_i32 = arith.constant 0 : i32
    %c0_i32_0 = arith.constant 0 : i32
    %c0_i32_1 = arith.constant 0 : i32
    return %c0_i32, %c0_i32_0 : i32, i32
  }
  func.func @transform_15(%arg0: i32) -> (i32, i32) {
    %c0_i32 = arith.constant 0 : i32
    %c0_i32_0 = arith.constant 0 : i32
    %c0_i32_1 = arith.constant 0 : i32
    return %c0_i32, %c0_i32_0 : i32, i32
  }
  func.func @transform_16(%arg0: i32) -> (i32, i32) {
    %c0_i32 = arith.constant 0 : i32
    %c0_i32_0 = arith.constant 0 : i32
    %c0_i32_1 = arith.constant 0 : i32
    return %c0_i32, %c0_i32_0 : i32, i32
  }
  func.func @transform_17(%arg0: i32) -> (i32, i32) {
    %c0_i32 = arith.constant 0 : i32
    %c0_i32_0 = arith.constant 0 : i32
    %c0_i32_1 = arith.constant 0 : i32
    return %c0_i32, %c0_i32_0 : i32, i32
  }
  func.func @transform_18(%arg0: i32) -> (i32, i32) {
    %c0_i32 = arith.constant 0 : i32
    %c0_i32_0 = arith.constant 0 : i32
    return %arg0, %c0_i32 : i32, i32
  }
}

</mosaic_0001>

<sc_bundles>
// kernel: kernel.10.cloned.1.call-start
scs
__scs_entry_jumppad:
0x0: {  	(pc) =	sbr.rel $0x88, $3  }
0x1: {  	(tag) =	ssettag $0x0;
	lr =	simm.s32 $0x1  }
0x2: {  	[smem:$0x3F90] =	sst lr;
	_ =	strace $0xD0000000  }
0x3: {  	_ = 	snop  }
0x4: {  	_ = 	snop  }
0x5: {  	_ = 	snop  }
0x6: {  	_ = 	snop  }
0x7: {  	_ = 	snop  }
__scs_overlays_trampoline_lowered:
0x8: {  	[smem:$0x3F9F] =	sst s0  }
0x9: {  	[smem:$0x3FA0] =	sst s1  }
0xa: {  	[smem:$0x3FA1] =	sst s2  }
0xb: {  	[smem:$0x3FA2] =	sst s3  }
0xc: {  	[smem:$0x3FA3] =	sst s4  }
0xd: {  	[smem:$0x3FA4] =	sst s5  }
0xe: {  	[smem:$0x3FA5] =	sst s6  }
0xf: {  	[smem:$0x3FA6] =	sst s7  }
0x10: {  	[smem:$0x3FA7] =	sst s8  }
0x11: {  	[smem:$0x3FA8] =	sst s9;
	s0 =	simm.s32 @!p0 $0x0  }
0x12: {  	s1 =	sld [smem:$0x3F8E];
	s0 =	simm.s32 @p0 $0x1  }
0x13: {  	[smem:$0x3FA9] =	sst s0;
	s0 =	simm.s32 @!p1 $0x0  }
0x14: {  	s2 =	sld [smem:$0x3F8D];
	s0 =	simm.s32 @p1 $0x1  }
0x15: {  	[smem:$0x3FAA] =	sst s0;
	s0 =	simm.s32 @!p2 $0x0  }
0x16: {  	s3 =	sld [smem:$0x3FDB];
	s0 =	simm.s32 @p2 $0x1  }
0x17: {  	s4 =	simm.s32 $0x1BF5;
	[smem:$0x3FAC] =	sst s0  }
0x18: {  	s0 =	sld [smem:$0x3F8F];
	_ =	swait.ge [sflag:s4], $0x0  }
0x19: {  	s7 =	sld [smem:$0x3F90]  }
0x1a: {  	s8 =	sadd.s32 $0xFFFFE003, lr  }
0x1b: {  	s9 =	sadd.s32 $0xFFFFFEF7, lr;
	s5 =	simm.s32 $0xFFFFFFFF;
	p2 =	slt.u32 s8, $0xFFFFF086  }
0x1c: {  	p1 =	slt.u32 s9, $0xF7A;
	s5 =	simm.s32 @!p2 $0x0  }
0x1d: {  	s5 =	simm.s32 @p1 $0x1;
	p0 =	seq.s32 s7, s2  }
0x1e: {  	s7 =	smul.u32 @!p0 $0xF7A, s2;
	p2 =	seq.s32 @!p0 s5, $0x0  }
0x1f: {  	s9 =	smul.u32 $0xF7A, s1;
	s8 =	simm.s32 @!p0 $0x1BF5;
	p2 =	por !p2, p0  }
0x20: {  	[sflag:s8] =	ssyncset.s32 @!p0 $0xFFFFF086;
	s6 =	sadd.s32 @!p0 s3, s7;
	s7 =	simm.s32 @!p0 $0x108  }
0x21: {  	s3 =	sadd.s32 s3, s9;
	s6 =	sadd.s32 @!p0 $0x88, s6;
	s7 =	simm.s32 @p2 $0x1082  }
0x22: {  	[simem:s7], [sflag:s8] =	dma.local @!p0 [hbm:s6], $0xF7A  }
0x23: {  	s9 =	sor.u32 $0xD0000000, s2;
	s6 =	simm.s32 $0x108;
	_ =	swait.ge @!p0 [sflag:s8], $0x0  }
0x24: {  	s3 =	sadd.s32 $0x88, s3;
	s6 =	simm.s32 @!p1 $0x1082;
	[sflag:s4] =	ssyncset.s32 $0xFFFFF086  }
0x25: {  	[simem:s6], [sflag:s4] =	dma.local [hbm:s3], $0xF7A  }
0x26: {  	[smem:$0x3F90] =	sst s1;
	(tag) =	ssettag s2;
	_ =	strace s9  }
0x27: {  	s1 =	sld [smem:$0x3FA0]  }
0x28: {  	s2 =	sld [smem:$0x3FA1]  }
0x29: {  	s4 =	sld [smem:$0x3FA3]  }
0x2a: {  	p0 =	seq.s32 s5, $0x0;
	s5 =	sld [smem:$0x3FA4]  }
0x2b: {  	s6 =	sld [smem:$0x3FA5]  }
0x2c: {  	s7 =	sld [smem:$0x3FA6]  }
0x2d: {  	s3 =	simm.s32 $0x108;
	s8 =	sld [smem:$0x3FA7]  }
0x2e: {  	s3 =	simm.s32 @!p0 $0x1082;
	s9 =	sld [smem:$0x3FA8]  }
0x2f: {  	lr =	sadd.s32 s0, s3;
	s0 =	sld [smem:$0x3F9F]  }
0x30: {  	s3 =	sld [smem:$0x3FA2]  }
0x31: {  	[smem:$0x3FAB] =	sst s10  }
0x32: {  	s10 =	sld [smem:$0x3FA9];
	_ =	sdelay $0x3  }
0x33: {  	p0 =	seq.s32 s10, $0x1;
	s10 =	sld [smem:$0x3FAB];
	_ =	sdelay $0x3  }
0x34: {  	[smem:$0x3FAB] =	sst s10  }
0x35: {  	s10 =	sld [smem:$0x3FAA];
	_ =	sdelay $0x3  }
0x36: {  	p1 =	seq.s32 s10, $0x1;
	s10 =	sld [smem:$0x3FAB];
	_ =	sdelay $0x3  }
0x37: {  	[smem:$0x3FAB] =	sst s10  }
0x38: {  	s10 =	sld [smem:$0x3FAC]  }
0x39: {  	_ = 	snop;
	(pc) =	sbr.ind lr, $3  }
0x3a: {  	_ = 	snop  }
0x3b: {  	_ = 	snop  }
0x3c: {  	p2 =	seq.s32 s10, $0x1;
	s10 =	sld [smem:$0x3FAB]  }
0x3d: {  	_ =	shalt  }
0x3e: {  	_ =	shalt  }
0x3f: {  	_ =	shalt  }
0x40: {  	_ =	shalt  }
0x41: {  	_ =	shalt  }
0x42: {  	_ =	shalt  }
0x43: {  	_ =	shalt  }
0x44: {  	_ =	shalt  }
0x45: {  	_ =	shalt  }
0x46: {  	_ =	shalt  }
0x47: {  	_ =	shalt  }
0x48: {  	_ =	shalt  }
0x49: {  	_ =	shalt  }
0x4a: {  	_ =	shalt  }
0x4b: {  	_ =	shalt  }
0x4c: {  	_ =	shalt  }
0x4d: {  	_ =	shalt  }
0x4e: {  	_ =	shalt  }
0x4f: {  	_ =	shalt  }
0x50: {  	_ =	shalt  }
0x51: {  	_ =	shalt  }
0x52: {  	_ =	shalt  }
0x53: {  	_ =	shalt  }
0x54: {  	_ =	shalt  }
0x55: {  	_ =	shalt  }
0x56: {  	_ =	shalt  }
0x57: {  	_ =	shalt  }
0x58: {  	_ =	shalt  }
0x59: {  	_ =	shalt  }
0x5a: {  	_ =	shalt  }
0x5b: {  	_ =	shalt  }
0x5c: {  	_ =	shalt  }
0x5d: {  	_ =	shalt  }
0x5e: {  	_ =	shalt  }
0x5f: {  	_ =	shalt  }
0x60: {  	_ =	shalt  }
0x61: {  	_ =	shalt  }
0x62: {  	_ =	shalt  }
0x63: {  	_ =	shalt  }
0x64: {  	_ =	shalt  }
0x65: {  	_ =	shalt  }
0x66: {  	_ =	shalt  }
0x67: {  	_ =	shalt  }
0x68: {  	_ =	shalt  }
0x69: {  	_ =	shalt  }
0x6a: {  	_ =	shalt  }
0x6b: {  	_ =	shalt  }
0x6c: {  	_ =	shalt  }
0x6d: {  	_ =	shalt  }
0x6e: {  	_ =	shalt  }
0x6f: {  	_ =	shalt  }
0x70: {  	_ =	shalt  }
0x71: {  	_ =	shalt  }
0x72: {  	_ =	shalt  }
0x73: {  	_ =	shalt  }
0x74: {  	_ =	shalt  }
0x75: {  	_ =	shalt  }
0x76: {  	_ =	shalt  }
0x77: {  	_ =	shalt  }
0x78: {  	_ =	shalt  }
0x79: {  	_ =	shalt  }
0x7a: {  	_ =	shalt  }
0x7b: {  	_ =	shalt  }
0x7c: {  	_ =	shalt  }
0x7d: {  	_ =	shalt  }
0x7e: {  	_ =	shalt  }
0x7f: {  	_ =	shalt  }
0x80: {  	_ =	shalt  }
0x81: {  	_ =	shalt  }
0x82: {  	_ =	shalt  }
0x83: {  	_ =	shalt  }
0x84: {  	_ =	shalt  }
0x85: {  	_ =	shalt  }
0x86: {  	_ =	shalt  }
0x87: {  	_ =	shalt  }
.Lfunc_end0:
.L_simem_size_0:
called_computation.1_lowered:
.L_overlay_start_0:
0x88: {  	s2 =	sld [smem:$0x3FD9]  }
0x89: {  	s3 =	sld [smem:$0x3FFE];
	_ =	sdelay $0x1  }
0x8a: {  	s1 =	srdreg.scid  }
0x8b: {  	s0 =	sand.u32 $0x1, s1  }
0x8c: {  	s17 =	sshll.u32 s0, $0xA;
	s2 =	sadd.s32 s3, s2  }
0x8d: {  	s2 =	sadd.s32 s2, s17  }
0x8e: {  	[smem:$0x3FB7] =	sst s2  }
0x8f: {  	_ = 	snop  }
0x90: {  	(tm) =	ssettm $0x1  }
0x91: {  	s18 =	sld [smem:$0x3FFB];
	_ =	sdelay $0x3  }
0x92: {  	_ =	strace s18  }
0x93: {  	s2 =	sld [smem:$0x3FFC];
	_ =	sdelay $0x3  }
0x94: {  	_ =	strace s2  }
0x95: {  	s2 =	sld [smem:$0x3FFD];
	_ =	sdelay $0x3  }
0x96: {  	_ =	strace s2  }
0x97: {  	_ =	strace $0x8FFFFFFF  }
0x98: {  	s19 =	sld [smem:$0x3FDB];
	_ =	sdelay $0x1  }
0x99: {  	s20 =	simm.s32 $_scs_section_size  }
0x9a: {  	s4 =	simm.s32 $_size__tile_overlayer_lowered;
	s5 =	simm.s32 $_tile_overlayer_lowered  }
0x9b: {  	s6 =	simm.s32 $0x1BFF;
	s21 =	sshll.u32 s5, $0x1;
	s3 =	sadd.s32 s20, s19  }
0x9c: {  	s22 =	simm.s32 $0x0;
	s4 =	sshll.u32 s4, $0x1;
	s5 =	sadd.s32 s21, s3  }
0x9d: {  	[timem:s22], [sflag:s6] =	dma.local [hbm:s5], s4  }
0x9e: {  	_ =	swait.ge [sflag:s6], s4  }
0x9f: {  	s4 =	ssub.s32 $0x0, s4;
	[sflag:s6] =	ssyncset.done $0x0  }
0xa0: {  	[sflag:s6] =	ssyncadd.s32 s4;
	_ =	sdelay $0x1  }
0xa1: {  	s23 =	simm.s32 $0x1B8B  }
0xa2: {  	_ =	swait.ge [sflag:s23], $0x1  }
0xa3: {  	[sflag:s23] =	ssyncset.done $0x0  }
0xa4: {  	[sflag:s23] =	ssyncadd.s32 $0xFFFFFFFF  }
0xa5: {  	s4 =	sld [smem:$0x0]  }
0xa6: {  	s5 =	sand.u32 $0xFFFFFFFE, s1  }
0xa7: {  	p0 =	sne.s32 s1, s5  }
0xa8: {  	s5 =	sshll.u32 @p0 s5, $0xE  }
0xa9: {  	s5 =	sadd.s32 @p0 $0x11B8D, s5;
	s6 =	sshll.u32 @p0 s4, $0x11  }
0xaa: {  	s5 =	sor.u32 @p0 s6, s5  }
0xab: {  	[sflag:s5] =	ssyncadd.remote.s32 @p0 $0x1;
	_ =	sdelay $0x1  }
0xac: {  	s5 =	simm.s32 @p0 $0x1B8D  }
0xad: {  	_ =	swait.eq @p0 [sflag:s5], $0x1  }
0xae: {  	[sflag:s5] =	ssyncadd.s32 @p0 $0xFFFFFFFF  }
0xaf: {  	s6 =	sshll.u32 @!p0 s1, $0xE  }
0xb0: {  	s6 =	sor.u32 @!p0 $0x4000, s6;
	s5 =	simm.s32 @!p0 $0x1B8D  }
0xb1: {  	s4 =	sshll.u32 @!p0 s4, $0x11;
	s6 =	sadd.s32 @!p0 $0x11B8D, s6;
	_ =	swait.eq @!p0 [sflag:s5], $0x1  }
0xb2: {  	s4 =	sor.u32 @!p0 s4, s6;
	[sflag:s5] =	ssyncadd.s32 @!p0 $0xFFFFFFFF  }
0xb3: {  	s25 =	simm.s32 $0x1B8E;
	s24 =	sld [smem:$0x3FFE];
	[sflag:s4] =	ssyncadd.remote.s32 @!p0 $0x1  }
0xb4: {  	s26 =	simm.s32 $execute0_lowered;
	[smem:$0x3FD2] =	sst s25  }
0xb5: {  	s5 =	sshll.u32 s26, $0x1;
	_ =	strace $0x80000049;
	[dreg:$0x1] =	wrdreg $0xFFFFFFFF  }
0xb6: {  	s28 =	simm.s32 $_size_execute0_lowered;
	s3 =	sadd.s32 s3, s5;
	[dreg:$0x0] =	wrdreg $0x0  }
0xb7: {  	s5 =	sshll.u32 s28, $0x1;
	[dreg:$0x2] =	wrdreg s3  }
0xb8: {  	[dreg:$0x3] =	wrdreg s5  }
0xb9: {  	[dreg:$0x4] =	wrdreg $0xC0  }
0xba: {  	_ =	task [dreg:s22], $0x5FFFF  }
0xbb: {  	[dreg:$0x1] =	wrdreg $0xFFFFFFFF  }
0xbc: {  	[dreg:$0x0] =	wrdreg $0x60  }
0xbd: {  	[dreg:$0x2] =	wrdreg s24  }
0xbe: {  	[dreg:$0x3] =	wrdreg $0xA  }
0xbf: {  	_ =	task.clear_ibuf [dreg:s22], $0x4FFFF;
	_ =	strace $0x90000049  }
0xc0: {  	s29 =	simm.s32 $0xA;
	_ =	strace $0x8000004B  }
0xc1: {  	_ =	swait.ge [sflag:s29], $0x1  }
0xc2: {  	[sflag:s29] =	ssyncadd.s32 $0xFFFFFFFF  }
0xc3: {  	_ =	strace $0x9000004B  }
0xc4: {  	_ =	sfence  }
0xc5: {  	s30 =	sld [smem:$0x0];
	_ =	sdelay $0x2  }
0xc6: {  	s31 =	sshll.u32 s1, $0xD;
	s1 =	sshrl.u32 s1, $0x2  }
0xc7: {  	s4 =	sand.u32 $0x4000, s31;
	s1 =	sadd.s32 s1, s30  }
0xc8: {  	s0 =	sor.u32 s4, s0;
	s1 =	sshll.u32 s1, $0x11  }
0xc9: {  	s0 =	sor.u32 s1, s0  }
0xca: {  	s0 =	sadd.s32 $0x8F2B, s0  }
0xcb: {  	[sflag:s0] =	ssyncadd.remote.s32 $0x1  }
0xcc: {  	_ =	sfence.sel $0xFFFF  }
0xcd: {  	[dreg:$0x0] =	wrdreg $0xFFFFFFFF;
	(pc) =	sbr.abs _section_cstart, $3  }
0xce: {  	[dreg:$0x1] =	wrdreg $0xFFFFFFFF  }
0xcf: {  	_ =	task.clear_ibuf [dreg:s22], $0x2FFFF;
	_ =	strace $0x9FFFFFFF  }
0xd0: {  	(tm) =	ssettm $0x7FFFFFFF  }
0xd1: {  	_ =	shalt  }
tec
execute0_lowered:
.L_overlay_start_1:
0x0: {  	(tag) =	ssettag $0x1  }
0x1: {  	s4 =	rddreg [dreg:$0x0]  }
0x2: {  	s0 =	rddreg [dreg:$0x1]  }
0x3: {  	s3 =	srdreg.scid;
	s1 =	stileid.u32;
	s2 =	simm.s32 $0x0  }
0x4: {  	s13 =	simm.s32 $0x5400;
	s14 =	simm.s32 $0x1;
	s25 =	smul.u32 $0x140000, s1  }
0x5: {  	s15 =	simm.s32 $0x2;
	s7 =	sand.u32 $0x1, s3;
	s29 =	smul.u32 $0x28000, s1  }
0x6: {  	s16 =	simm.s32 $0x1380;
	s23 =	sshll.u32 s1, $0x1;
	s28 =	smul.u32 $0xA0000, s7  }
0x7: {  	s17 =	simm.s32 $0x0;
	s5 =	sor.u32 s7, s23;
	s30 =	smul.u32 $0x14000, s7  }
0x8: {  	[smem:$0x7FF] =	sst s2;
	s3 =	sadd.s32 $0xA800, s4;
	s6 =	smul.u32 $0x280, s5  }
0x9: {  	s12 =	sadd.s32 $0x304E00, s4;
	s8 =	ssub.s32 $0x2, s7;
	s9 =	smul.u32 $0xA0000, s5  }
0xa: {  	_ =	strace $0x8000004A;
	s10 =	sshrl.u32 s8, $0x1;
	s11 =	smul.u32 $0x14000, s5  }
0xb: {  	s24 =	ssub.s32 s8, s10;
	s8 =	sadd.s32 s28, s25;
	s10 =	sadd.s32 s29, s12  }
0xc: {  	s6 =	sadd.s32 s6, s4;
	s26 =	sshrl.u32 s9, $0x3;
	s5 =	smax.u32 s24, $0x1  }
0xd: {  	s31 =	sadd.s32 s12, s11;
	s8 =	sshrl.u32 s8, $0x3;
	s9 =	sadd.s32 s30, s10  }
0xe: {  	s10 =	simm.s32 $0x3;
	s11 =	simm.s32 $0x1400;
	s4 =	sadd.s32 $0x2FFE00, s6  }
0xf: {  	s6 =	sadd.s32 s12, s26;
	s7 =	sadd.s32 $0x13800, s31;
	s8 =	sadd.s32 s8, s12  }
0x10: {  	s9 =	sadd.s32 $0x800, s9;
	s12 =	simm.s32 $0x80;
	s6 =	sadd.s32 $0x13000, s6  }
.LBB2_1:
0x11: {  	[tilespmem:s2], [sflag:$0x3] =	stream.linear.gather [hbm4b:s4+s2], $0x1400, $0x38;
	[tilespmem:$0x9400] =	vst v63  }
0x12: {  	_ =	swait.ge [sflag:s10], $0x1400  }
0x13: {  	[sflag:s10] =	ssyncset.done $0x0  }
0x14: {  	[sflag:s10] =	ssyncadd.s32 $0xFFFFEC00  }
0x15: {  	[tilespmem:s11], [sflag:$0x1] =	stream.indirect.gather [hbm4b:s3+s12], $0x80, s2, s12, $0xb8;
	[tilespmem:$0x9400] =	vst v63  }
0x16: {  	_ = 	snop  }
0x17: {  	[tilespmem:s13], [sflag:$0x2] =	stream.indirect.gather [hbm4b:s3+s12], $0x80, s12, s12, $0xb8;
	[tilespmem:$0x9400] =	vst v63  }
0x18: {  	_ =	swait.ge [sflag:s14], $0x4000  }
0x19: {  	[sflag:s14] =	ssyncset.done $0x0  }
0x1a: {  	s18 =	sadd.s32 $0x0, s8;
	[sflag:s14] =	ssyncadd.s32 $0xFFFFC000  }
0x1b: {  	[hbm4b:s18+s2] =	stream.linear.scatter [tilespmem:s11], [sflag:$0x3], $0x4000, $0x38;
	[tilespmem:$0x9400] =	vst v63  }
0x1c: {  	_ =	swait.ge [sflag:s10], $0x4000  }
0x1d: {  	[sflag:s10] =	ssyncset.done $0x0  }
0x1e: {  	s30 =	simm.s32 $0x100;
	[sflag:s10] =	ssyncadd.s32 $0xFFFFC000  }
0x1f: {  	[tilespmem:s11], [sflag:$0x1] =	stream.indirect.gather [hbm4b:s3+s12], $0x80, s30, s12, $0xb8;
	[tilespmem:$0x9400] =	vst v63  }
0x20: {  	_ =	swait.ge [sflag:s15], $0x4000  }
0x21: {  	[sflag:s15] =	ssyncset.done $0x0  }
0x22: {  	s31 =	sadd.s32 $0x0, s9;
	[sflag:s15] =	ssyncadd.s32 $0xFFFFC000  }
0x23: {  	[hbm4b:s31+s2] =	stream.linear.scatter [tilespmem:s13], [sflag:$0x3], $0x4000, $0x38;
	[tilespmem:$0x9400] =	vst v63  }
0x24: {  	_ =	swait.ge [sflag:s10], $0x4000  }
0x25: {  	s19 =	simm.s32 $0x80;
	s18 =	simm.s32 $0x1000;
	[sflag:s10] =	ssyncset.done $0x0  }
.LBB2_2:
0x26: {  	p0 =	sne.s32 s18, $0x12000;
	[sflag:s10] =	ssyncadd.s32 $0xFFFFC000;
	s19 =	sadd.s32 $0x100, s19  }
0x27: {  	[tilespmem:s13], [sflag:$0x2] =	stream.indirect.gather [hbm4b:s3+s12], $0x80, s19, s12, $0xb8;
	[tilespmem:$0x9400] =	vst v63  }
0x28: {  	s20 =	smov.u32 s18;
	s18 =	sadd.s32 $0x1000, s18;
	_ =	swait.ge [sflag:s14], $0x4000  }
0x29: {  	[sflag:s14] =	ssyncset.done $0x0  }
0x2a: {  	s21 =	sadd.s32 s20, s8;
	[sflag:s14] =	ssyncadd.s32 $0xFFFFC000  }
0x2b: {  	[hbm4b:s21+s2] =	stream.linear.scatter [tilespmem:s11], [sflag:$0x3], $0x4000, $0x38;
	[tilespmem:$0x9400] =	vst v63  }
0x2c: {  	_ =	swait.ge [sflag:s10], $0x4000  }
0x2d: {  	[sflag:s10] =	ssyncset.done $0x0  }
0x2e: {  	s21 =	sadd.s32 $0x80, s19;
	[sflag:s10] =	ssyncadd.s32 $0xFFFFC000  }
0x2f: {  	[tilespmem:s11], [sflag:$0x1] =	stream.indirect.gather [hbm4b:s3+s12], $0x80, s21, s12, $0xb8;
	[tilespmem:$0x9400] =	vst v63  }
0x30: {  	_ =	swait.ge [sflag:s15], $0x4000  }
.Ltmp0:
0x31: {  	[sflag:s15] =	ssyncset.done $0x0;
	(pc) =	sbr.rel @p0 .LBB2_2-.Ltmp0, $4  }
0x32: {  	s20 =	sadd.s32 s20, s9;
	[sflag:s15] =	ssyncadd.s32 $0xFFFFC000  }
0x33: {  	[hbm4b:s20+s2] =	stream.linear.scatter [tilespmem:s13], [sflag:$0x3], $0x4000, $0x38;
	[tilespmem:$0x9400] =	vst v63  }
0x34: {  	_ =	swait.ge [sflag:s10], $0x4000  }
0x35: {  	[sflag:s10] =	ssyncset.done $0x0  }
0x36: {  	[sflag:s10] =	ssyncadd.s32 $0xFFFFC000  }
0x37: {  	[tilespmem:s13], [sflag:$0x2] =	stream.indirect.gather [hbm4b:s3+s12], $0x80, s16, s12, $0xb8;
	[tilespmem:$0x9400] =	vst v63  }
0x38: {  	_ =	swait.ge [sflag:s14], $0x4000  }
0x39: {  	[sflag:s14] =	ssyncset.done $0x0  }
0x3a: {  	[sflag:s14] =	ssyncadd.s32 $0xFFFFC000  }
0x3b: {  	[hbm4b:s6+s2] =	stream.linear.scatter [tilespmem:s11], [sflag:$0x3], $0x4000, $0x38;
	[tilespmem:$0x9400] =	vst v63  }
0x3c: {  	_ =	swait.ge [sflag:s10], $0x4000  }
0x3d: {  	[sflag:s10] =	ssyncset.done $0x0  }
0x3e: {  	[sflag:s10] =	ssyncadd.s32 $0xFFFFC000  }
0x3f: {  	s17 =	sadd.s32 $0x1, s17;
	_ =	swait.ge [sflag:s15], $0x4000  }
0x40: {  	p0 =	sne.s32 s17, s5;
	[sflag:s15] =	ssyncset.done $0x0  }
.Ltmp1:
0x41: {  	[sflag:s15] =	ssyncadd.s32 $0xFFFFC000;
	(pc) =	sbr.rel @p0 .LBB2_1-.Ltmp1, $4  }
0x42: {  	[hbm4b:s7+s2] =	stream.linear.scatter [tilespmem:s13], [sflag:$0x3], $0x4000, $0x38;
	[tilespmem:$0x9400] =	vst v63  }
0x43: {  	_ =	swait.ge [sflag:s10], $0x4000  }
0x44: {  	[sflag:s10] =	ssyncset.done $0x0  }
0x45: {  	[sflag:s10] =	ssyncadd.s32 $0xFFFFC000  }
0x46: {  	_ =	sfence.sel $0x180000  }
0x47: {  	[bflag:$0x0] =	sbarrier.arrive $0xFFFF  }
0x48: {  	p0 =	sne.s32 s1, $0x0;
	_ =	strace $0x9000004A  }
0x49: {  	s0 =	sadd.s32 @!p0 $0x100000, s0;
	[bflag:$0x2] =	sbarrier.arrive $0xFFFF  }
0x4a: {  	[sflag:s0] =	ssyncadd.tile.s32 @!p0 $0x1;
	_ =	shalt  }
.Lfunc_end2:
_tile_overlayer_lowered:
.L_overlay_start_2:
0x4b: {  	(tag) =	ssettag $0x2  }
0x4c: {  	s0 =	rddreg [dreg:$0x0];
	s2 =	stileid.u32  }
0x4d: {  	s1 =	rddreg [dreg:$0x1];
	p0 =	sne.s32 s2, $0x0  }
0x4e: {  	s3 =	rddreg [dreg:$0x2];
	[bflag:$0x3] =	sbarrier.arrive $0xFFFF;
	s2 =	simm.s32 @!p0 $0x1C03  }
0x4f: {  	[timem:s3], [sflag:s2] =	dma.local @!p0 [hbm:s0], s1  }
0x50: {  	s0 =	simm.s32 @!p0 $0x3  }
0x51: {  	_ =	swait.ge @!p0 [sflag:s0], s1  }
0x52: {  	s1 =	ssub.s32 @!p0 $0x0, s1;
	[sflag:s0] =	ssyncset.done @!p0 $0x0  }
0x53: {  	[sflag:s0] =	ssyncadd.s32 @!p0 s1  }
0x54: {  	[bflag:$0x3] =	sbarrier.arrive $0xFFFF  }
0x55: {  	_ =	shalt  }

// kernel: kernel.7.cloned.1.call-start
scs
__scs_entry_jumppad:
0x0: {  	(pc) =	sbr.rel $0x88, $3  }
0x1: {  	(tag) =	ssettag $0x0;
	lr =	simm.s32 $0x1  }
0x2: {  	[smem:$0x3F90] =	sst lr;
	_ =	strace $0xD0000000  }
0x3: {  	_ = 	snop  }
0x4: {  	_ = 	snop  }
0x5: {  	_ = 	snop  }
0x6: {  	_ = 	snop  }
0x7: {  	_ = 	snop  }
__scs_overlays_trampoline_lowered:
0x8: {  	[smem:$0x3F9F] =	sst s0  }
0x9: {  	[smem:$0x3FA0] =	sst s1  }
0xa: {  	[smem:$0x3FA1] =	sst s2  }
0xb: {  	[smem:$0x3FA2] =	sst s3  }
0xc: {  	[smem:$0x3FA3] =	sst s4  }
0xd: {  	[smem:$0x3FA4] =	sst s5  }
0xe: {  	[smem:$0x3FA5] =	sst s6  }
0xf: {  	[smem:$0x3FA6] =	sst s7  }
0x10: {  	[smem:$0x3FA7] =	sst s8  }
0x11: {  	[smem:$0x3FA8] =	sst s9;
	s0 =	simm.s32 @!p0 $0x0  }
0x12: {  	s1 =	sld [smem:$0x3F8E];
	s0 =	simm.s32 @p0 $0x1  }
0x13: {  	[smem:$0x3FA9] =	sst s0;
	s0 =	simm.s32 @!p1 $0x0  }
0x14: {  	s2 =	sld [smem:$0x3F8D];
	s0 =	simm.s32 @p1 $0x1  }
0x15: {  	[smem:$0x3FAA] =	sst s0;
	s0 =	simm.s32 @!p2 $0x0  }
0x16: {  	s3 =	sld [smem:$0x3FDB];
	s0 =	simm.s32 @p2 $0x1  }
0x17: {  	s4 =	simm.s32 $0x1BF5;
	[smem:$0x3FAC] =	sst s0  }
0x18: {  	s0 =	sld [smem:$0x3F8F];
	_ =	swait.ge [sflag:s4], $0x0  }
0x19: {  	s7 =	sld [smem:$0x3F90]  }
0x1a: {  	s8 =	sadd.s32 $0xFFFFE003, lr  }
0x1b: {  	s9 =	sadd.s32 $0xFFFFFEF7, lr;
	s5 =	simm.s32 $0xFFFFFFFF;
	p2 =	slt.u32 s8, $0xFFFFF086  }
0x1c: {  	p1 =	slt.u32 s9, $0xF7A;
	s5 =	simm.s32 @!p2 $0x0  }
0x1d: {  	s5 =	simm.s32 @p1 $0x1;
	p0 =	seq.s32 s7, s2  }
0x1e: {  	s7 =	smul.u32 @!p0 $0xF7A, s2;
	p2 =	seq.s32 @!p0 s5, $0x0  }
0x1f: {  	s9 =	smul.u32 $0xF7A, s1;
	s8 =	simm.s32 @!p0 $0x1BF5;
	p2 =	por !p2, p0  }
0x20: {  	[sflag:s8] =	ssyncset.s32 @!p0 $0xFFFFF086;
	s6 =	sadd.s32 @!p0 s3, s7;
	s7 =	simm.s32 @!p0 $0x108  }
0x21: {  	s3 =	sadd.s32 s3, s9;
	s6 =	sadd.s32 @!p0 $0x88, s6;
	s7 =	simm.s32 @p2 $0x1082  }
0x22: {  	[simem:s7], [sflag:s8] =	dma.local @!p0 [hbm:s6], $0xF7A  }
0x23: {  	s9 =	sor.u32 $0xD0000000, s2;
	s6 =	simm.s32 $0x108;
	_ =	swait.ge @!p0 [sflag:s8], $0x0  }
0x24: {  	s3 =	sadd.s32 $0x88, s3;
	s6 =	simm.s32 @!p1 $0x1082;
	[sflag:s4] =	ssyncset.s32 $0xFFFFF086  }
0x25: {  	[simem:s6], [sflag:s4] =	dma.local [hbm:s3], $0xF7A  }
0x26: {  	[smem:$0x3F90] =	sst s1;
	(tag) =	ssettag s2;
	_ =	strace s9  }
0x27: {  	s1 =	sld [smem:$0x3FA0]  }
0x28: {  	s2 =	sld [smem:$0x3FA1]  }
0x29: {  	s4 =	sld [smem:$0x3FA3]  }
0x2a: {  	p0 =	seq.s32 s5, $0x0;
	s5 =	sld [smem:$0x3FA4]  }
0x2b: {  	s6 =	sld [smem:$0x3FA5]  }
0x2c: {  	s7 =	sld [smem:$0x3FA6]  }
0x2d: {  	s3 =	simm.s32 $0x108;
	s8 =	sld [smem:$0x3FA7]  }
0x2e: {  	s3 =	simm.s32 @!p0 $0x1082;
	s9 =	sld [smem:$0x3FA8]  }
0x2f: {  	lr =	sadd.s32 s0, s3;
	s0 =	sld [smem:$0x3F9F]  }
0x30: {  	s3 =	sld [smem:$0x3FA2]  }
0x31: {  	[smem:$0x3FAB] =	sst s10  }
0x32: {  	s10 =	sld [smem:$0x3FA9];
	_ =	sdelay $0x3  }
0x33: {  	p0 =	seq.s32 s10, $0x1;
	s10 =	sld [smem:$0x3FAB];
	_ =	sdelay $0x3  }
0x34: {  	[smem:$0x3FAB] =	sst s10  }
0x35: {  	s10 =	sld [smem:$0x3FAA];
	_ =	sdelay $0x3  }
0x36: {  	p1 =	seq.s32 s10, $0x1;
	s10 =	sld [smem:$0x3FAB];
	_ =	sdelay $0x3  }
0x37: {  	[smem:$0x3FAB] =	sst s10  }
0x38: {  	s10 =	sld [smem:$0x3FAC]  }
0x39: {  	_ = 	snop;
	(pc) =	sbr.ind lr, $3  }
0x3a: {  	_ = 	snop  }
0x3b: {  	_ = 	snop  }
0x3c: {  	p2 =	seq.s32 s10, $0x1;
	s10 =	sld [smem:$0x3FAB]  }
0x3d: {  	_ =	shalt  }
0x3e: {  	_ =	shalt  }
0x3f: {  	_ =	shalt  }
0x40: {  	_ =	shalt  }
0x41: {  	_ =	shalt  }
0x42: {  	_ =	shalt  }
0x43: {  	_ =	shalt  }
0x44: {  	_ =	shalt  }
0x45: {  	_ =	shalt  }
0x46: {  	_ =	shalt  }
0x47: {  	_ =	shalt  }
0x48: {  	_ =	shalt  }
0x49: {  	_ =	shalt  }
0x4a: {  	_ =	shalt  }
0x4b: {  	_ =	shalt  }
0x4c: {  	_ =	shalt  }
0x4d: {  	_ =	shalt  }
0x4e: {  	_ =	shalt  }
0x4f: {  	_ =	shalt  }
0x50: {  	_ =	shalt  }
0x51: {  	_ =	shalt  }
0x52: {  	_ =	shalt  }
0x53: {  	_ =	shalt  }
0x54: {  	_ =	shalt  }
0x55: {  	_ =	shalt  }
0x56: {  	_ =	shalt  }
0x57: {  	_ =	shalt  }
0x58: {  	_ =	shalt  }
0x59: {  	_ =	shalt  }
0x5a: {  	_ =	shalt  }
0x5b: {  	_ =	shalt  }
0x5c: {  	_ =	shalt  }
0x5d: {  	_ =	shalt  }
0x5e: {  	_ =	shalt  }
0x5f: {  	_ =	shalt  }
0x60: {  	_ =	shalt  }
0x61: {  	_ =	shalt  }
0x62: {  	_ =	shalt  }
0x63: {  	_ =	shalt  }
0x64: {  	_ =	shalt  }
0x65: {  	_ =	shalt  }
0x66: {  	_ =	shalt  }
0x67: {  	_ =	shalt  }
0x68: {  	_ =	shalt  }
0x69: {  	_ =	shalt  }
0x6a: {  	_ =	shalt  }
0x6b: {  	_ =	shalt  }
0x6c: {  	_ =	shalt  }
0x6d: {  	_ =	shalt  }
0x6e: {  	_ =	shalt  }
0x6f: {  	_ =	shalt  }
0x70: {  	_ =	shalt  }
0x71: {  	_ =	shalt  }
0x72: {  	_ =	shalt  }
0x73: {  	_ =	shalt  }
0x74: {  	_ =	shalt  }
0x75: {  	_ =	shalt  }
0x76: {  	_ =	shalt  }
0x77: {  	_ =	shalt  }
0x78: {  	_ =	shalt  }
0x79: {  	_ =	shalt  }
0x7a: {  	_ =	shalt  }
0x7b: {  	_ =	shalt  }
0x7c: {  	_ =	shalt  }
0x7d: {  	_ =	shalt  }
0x7e: {  	_ =	shalt  }
0x7f: {  	_ =	shalt  }
0x80: {  	_ =	shalt  }
0x81: {  	_ =	shalt  }
0x82: {  	_ =	shalt  }
0x83: {  	_ =	shalt  }
0x84: {  	_ =	shalt  }
0x85: {  	_ =	shalt  }
0x86: {  	_ =	shalt  }
0x87: {  	_ =	shalt  }
.Lfunc_end0:
.L_simem_size_0:
called_computation_lowered:
.L_overlay_start_0:
0x88: {  	s2 =	sld [smem:$0x3FD9]  }
0x89: {  	s3 =	sld [smem:$0x3FFE];
	_ =	sdelay $0x1  }
0x8a: {  	s1 =	srdreg.scid  }
0x8b: {  	s0 =	sand.u32 $0x1, s1  }
0x8c: {  	s16 =	sshll.u32 s0, $0xA;
	s2 =	sadd.s32 s3, s2  }
0x8d: {  	s2 =	sadd.s32 s2, s16  }
0x8e: {  	[smem:$0x3FB7] =	sst s2  }
0x8f: {  	_ = 	snop  }
0x90: {  	(tm) =	ssettm $0x1  }
0x91: {  	s17 =	sld [smem:$0x3FFB];
	_ =	sdelay $0x3  }
0x92: {  	_ =	strace s17  }
0x93: {  	s2 =	sld [smem:$0x3FFC];
	_ =	sdelay $0x3  }
0x94: {  	_ =	strace s2  }
0x95: {  	s2 =	sld [smem:$0x3FFD];
	_ =	sdelay $0x3  }
0x96: {  	_ =	strace s2  }
0x97: {  	_ =	strace $0x8FFFFFFF  }
0x98: {  	s18 =	sld [smem:$0x3FDB];
	_ =	sdelay $0x1  }
0x99: {  	s19 =	simm.s32 $_scs_section_size  }
0x9a: {  	s4 =	simm.s32 $_size__tile_overlayer_lowered;
	s5 =	simm.s32 $_tile_overlayer_lowered  }
0x9b: {  	s22 =	simm.s32 $0x1BFF;
	s21 =	sshll.u32 s5, $0x1;
	s2 =	sadd.s32 s19, s18  }
0x9c: {  	s6 =	simm.s32 $0x0;
	s20 =	sshll.u32 s4, $0x1;
	s4 =	sadd.s32 s21, s2  }
0x9d: {  	[timem:s6], [sflag:s22] =	dma.local [hbm:s4], s20  }
0x9e: {  	_ =	swait.ge [sflag:s22], s20  }
0x9f: {  	s3 =	ssub.s32 $0x0, s20;
	[sflag:s22] =	ssyncset.done $0x0  }
0xa0: {  	[sflag:s22] =	ssyncadd.s32 s3;
	_ =	sdelay $0x1  }
0xa1: {  	s23 =	simm.s32 $0x1B8B  }
0xa2: {  	_ =	swait.ge [sflag:s23], $0x1  }
0xa3: {  	[sflag:s23] =	ssyncset.done $0x0  }
0xa4: {  	s25 =	simm.s32 $0x1B8E;
	s24 =	sld [smem:$0x3FFE];
	[sflag:s23] =	ssyncadd.s32 $0xFFFFFFFF  }
0xa5: {  	s26 =	simm.s32 $execute0_lowered;
	[smem:$0x3FD2] =	sst s25  }
0xa6: {  	s4 =	sshll.u32 s26, $0x1;
	_ =	strace $0x80000046;
	[dreg:$0x1] =	wrdreg $0xFFFFFFFF  }
0xa7: {  	s28 =	simm.s32 $_size_execute0_lowered;
	s2 =	sadd.s32 s2, s4;
	[dreg:$0x0] =	wrdreg $0x0  }
0xa8: {  	s4 =	sshll.u32 s28, $0x1;
	[dreg:$0x2] =	wrdreg s2  }
0xa9: {  	[dreg:$0x3] =	wrdreg s4  }
0xaa: {  	[dreg:$0x4] =	wrdreg $0xC0  }
0xab: {  	_ =	task [dreg:s6], $0x5FFFF  }
0xac: {  	[dreg:$0x1] =	wrdreg $0xFFFFFFFF  }
0xad: {  	[dreg:$0x0] =	wrdreg $0x60  }
0xae: {  	[dreg:$0x2] =	wrdreg s24  }
0xaf: {  	[dreg:$0x3] =	wrdreg $0x9  }
0xb0: {  	_ =	task.clear_ibuf [dreg:s6], $0x4FFFF;
	_ =	strace $0x90000046  }
0xb1: {  	s29 =	simm.s32 $0x9;
	_ =	strace $0x80000048  }
0xb2: {  	_ =	swait.ge [sflag:s29], $0x1  }
0xb3: {  	[sflag:s29] =	ssyncadd.s32 $0xFFFFFFFF  }
0xb4: {  	_ =	strace $0x90000048  }
0xb5: {  	_ =	sfence  }
0xb6: {  	s30 =	sld [smem:$0x0];
	_ =	sdelay $0x2  }
0xb7: {  	s31 =	sshll.u32 s1, $0xD;
	s1 =	sshrl.u32 s1, $0x2  }
0xb8: {  	s3 =	sand.u32 $0x4000, s31;
	s1 =	sadd.s32 s1, s30  }
0xb9: {  	s0 =	sor.u32 s3, s0;
	s1 =	sshll.u32 s1, $0x11  }
0xba: {  	s0 =	sor.u32 s1, s0  }
0xbb: {  	s0 =	sadd.s32 $0x8F2B, s0  }
0xbc: {  	[sflag:s0] =	ssyncadd.remote.s32 $0x1  }
0xbd: {  	_ =	sfence.sel $0xFFFF  }
0xbe: {  	[dreg:$0x0] =	wrdreg $0xFFFFFFFF;
	(pc) =	sbr.abs _section_cstart, $3  }
0xbf: {  	[dreg:$0x1] =	wrdreg $0xFFFFFFFF  }
0xc0: {  	_ =	task.clear_ibuf [dreg:s6], $0x2FFFF;
	_ =	strace $0x9FFFFFFF  }
0xc1: {  	(tm) =	ssettm $0x7FFFFFFF  }
tec
execute0_lowered:
.L_overlay_start_1:
0x0: {  	(tag) =	ssettag $0x1  }
0x1: {  	s4 =	rddreg [dreg:$0x0]  }
0x2: {  	s0 =	rddreg [dreg:$0x1]  }
0x3: {  	s3 =	srdreg.scid;
	s1 =	stileid.u32;
	s2 =	simm.s32 $0x0  }
0x4: {  	s13 =	simm.s32 $0x5400;
	s14 =	simm.s32 $0x1;
	s25 =	smul.u32 $0x140000, s1  }
0x5: {  	s15 =	simm.s32 $0x2;
	s7 =	sand.u32 $0x1, s3;
	s29 =	smul.u32 $0x28000, s1  }
0x6: {  	s16 =	simm.s32 $0x1380;
	s23 =	sshll.u32 s1, $0x1;
	s28 =	smul.u32 $0xA0000, s7  }
0x7: {  	s17 =	simm.s32 $0x0;
	s5 =	sor.u32 s7, s23;
	s30 =	smul.u32 $0x14000, s7  }
0x8: {  	[smem:$0x7FF] =	sst s2;
	s3 =	sadd.s32 $0xA800, s4;
	s6 =	smul.u32 $0x280, s5  }
0x9: {  	s12 =	sadd.s32 $0x7FE00, s4;
	s8 =	ssub.s32 $0x2, s7;
	s9 =	smul.u32 $0xA0000, s5  }
0xa: {  	_ =	strace $0x80000047;
	s10 =	sshrl.u32 s8, $0x1;
	s11 =	smul.u32 $0x14000, s5  }
0xb: {  	s24 =	ssub.s32 s8, s10;
	s8 =	sadd.s32 s28, s25;
	s10 =	sadd.s32 s29, s12  }
0xc: {  	s6 =	sadd.s32 s6, s4;
	s26 =	sshrl.u32 s9, $0x3;
	s5 =	smax.u32 s24, $0x1  }
0xd: {  	s31 =	sadd.s32 s12, s11;
	s8 =	sshrl.u32 s8, $0x3;
	s9 =	sadd.s32 s30, s10  }
0xe: {  	s10 =	simm.s32 $0x3;
	s11 =	simm.s32 $0x1400;
	s4 =	sadd.s32 $0x5800, s6  }
0xf: {  	s6 =	sadd.s32 s12, s26;
	s7 =	sadd.s32 $0x13800, s31;
	s8 =	sadd.s32 s8, s12  }
0x10: {  	s9 =	sadd.s32 $0x800, s9;
	s12 =	simm.s32 $0x80;
	s6 =	sadd.s32 $0x13000, s6  }
.LBB2_1:
0x11: {  	[tilespmem:s2], [sflag:$0x3] =	stream.linear.gather [hbm4b:s4+s2], $0x1400, $0x38;
	[tilespmem:$0x9400] =	vst v63  }
0x12: {  	_ =	swait.ge [sflag:s10], $0x1400  }
0x13: {  	[sflag:s10] =	ssyncset.done $0x0  }
0x14: {  	[sflag:s10] =	ssyncadd.s32 $0xFFFFEC00  }
0x15: {  	[tilespmem:s11], [sflag:$0x1] =	stream.indirect.gather [hbm4b:s3+s12], $0x80, s2, s12, $0xb8;
	[tilespmem:$0x9400] =	vst v63  }
0x16: {  	_ = 	snop  }
0x17: {  	[tilespmem:s13], [sflag:$0x2] =	stream.indirect.gather [hbm4b:s3+s12], $0x80, s12, s12, $0xb8;
	[tilespmem:$0x9400] =	vst v63  }
0x18: {  	_ =	swait.ge [sflag:s14], $0x4000  }
0x19: {  	[sflag:s14] =	ssyncset.done $0x0  }
0x1a: {  	s18 =	sadd.s32 $0x0, s8;
	[sflag:s14] =	ssyncadd.s32 $0xFFFFC000  }
0x1b: {  	[hbm4b:s18+s2] =	stream.linear.scatter [tilespmem:s11], [sflag:$0x3], $0x4000, $0x38;
	[tilespmem:$0x9400] =	vst v63  }
0x1c: {  	_ =	swait.ge [sflag:s10], $0x4000  }
0x1d: {  	[sflag:s10] =	ssyncset.done $0x0  }
0x1e: {  	s30 =	simm.s32 $0x100;
	[sflag:s10] =	ssyncadd.s32 $0xFFFFC000  }
0x1f: {  	[tilespmem:s11], [sflag:$0x1] =	stream.indirect.gather [hbm4b:s3+s12], $0x80, s30, s12, $0xb8;
	[tilespmem:$0x9400] =	vst v63  }
0x20: {  	_ =	swait.ge [sflag:s15], $0x4000  }
0x21: {  	[sflag:s15] =	ssyncset.done $0x0  }
0x22: {  	s31 =	sadd.s32 $0x0, s9;
	[sflag:s15] =	ssyncadd.s32 $0xFFFFC000  }
0x23: {  	[hbm4b:s31+s2] =	stream.linear.scatter [tilespmem:s13], [sflag:$0x3], $0x4000, $0x38;
	[tilespmem:$0x9400] =	vst v63  }
0x24: {  	_ =	swait.ge [sflag:s10], $0x4000  }
0x25: {  	s19 =	simm.s32 $0x80;
	s18 =	simm.s32 $0x1000;
	[sflag:s10] =	ssyncset.done $0x0  }
.LBB2_2:
0x26: {  	p0 =	sne.s32 s18, $0x12000;
	[sflag:s10] =	ssyncadd.s32 $0xFFFFC000;
	s19 =	sadd.s32 $0x100, s19  }
0x27: {  	[tilespmem:s13], [sflag:$0x2] =	stream.indirect.gather [hbm4b:s3+s12], $0x80, s19, s12, $0xb8;
	[tilespmem:$0x9400] =	vst v63  }
0x28: {  	s20 =	smov.u32 s18;
	s18 =	sadd.s32 $0x1000, s18;
	_ =	swait.ge [sflag:s14], $0x4000  }
0x29: {  	[sflag:s14] =	ssyncset.done $0x0  }
0x2a: {  	s21 =	sadd.s32 s20, s8;
	[sflag:s14] =	ssyncadd.s32 $0xFFFFC000  }
0x2b: {  	[hbm4b:s21+s2] =	stream.linear.scatter [tilespmem:s11], [sflag:$0x3], $0x4000, $0x38;
	[tilespmem:$0x9400] =	vst v63  }
0x2c: {  	_ =	swait.ge [sflag:s10], $0x4000  }
0x2d: {  	[sflag:s10] =	ssyncset.done $0x0  }
0x2e: {  	s21 =	sadd.s32 $0x80, s19;
	[sflag:s10] =	ssyncadd.s32 $0xFFFFC000  }
0x2f: {  	[tilespmem:s11], [sflag:$0x1] =	stream.indirect.gather [hbm4b:s3+s12], $0x80, s21, s12, $0xb8;
	[tilespmem:$0x9400] =	vst v63  }
0x30: {  	_ =	swait.ge [sflag:s15], $0x4000  }
.Ltmp0:
0x31: {  	[sflag:s15] =	ssyncset.done $0x0;
	(pc) =	sbr.rel @p0 .LBB2_2-.Ltmp0, $4  }
0x32: {  	s20 =	sadd.s32 s20, s9;
	[sflag:s15] =	ssyncadd.s32 $0xFFFFC000  }
0x33: {  	[hbm4b:s20+s2] =	stream.linear.scatter [tilespmem:s13], [sflag:$0x3], $0x4000, $0x38;
	[tilespmem:$0x9400] =	vst v63  }
0x34: {  	_ =	swait.ge [sflag:s10], $0x4000  }
0x35: {  	[sflag:s10] =	ssyncset.done $0x0  }
0x36: {  	[sflag:s10] =	ssyncadd.s32 $0xFFFFC000  }
0x37: {  	[tilespmem:s13], [sflag:$0x2] =	stream.indirect.gather [hbm4b:s3+s12], $0x80, s16, s12, $0xb8;
	[tilespmem:$0x9400] =	vst v63  }
0x38: {  	_ =	swait.ge [sflag:s14], $0x4000  }
0x39: {  	[sflag:s14] =	ssyncset.done $0x0  }
0x3a: {  	[sflag:s14] =	ssyncadd.s32 $0xFFFFC000  }
0x3b: {  	[hbm4b:s6+s2] =	stream.linear.scatter [tilespmem:s11], [sflag:$0x3], $0x4000, $0x38;
	[tilespmem:$0x9400] =	vst v63  }
0x3c: {  	_ =	swait.ge [sflag:s10], $0x4000  }
0x3d: {  	[sflag:s10] =	ssyncset.done $0x0  }
0x3e: {  	[sflag:s10] =	ssyncadd.s32 $0xFFFFC000  }
0x3f: {  	s17 =	sadd.s32 $0x1, s17;
	_ =	swait.ge [sflag:s15], $0x4000  }
0x40: {  	p0 =	sne.s32 s17, s5;
	[sflag:s15] =	ssyncset.done $0x0  }
.Ltmp1:
0x41: {  	[sflag:s15] =	ssyncadd.s32 $0xFFFFC000;
	(pc) =	sbr.rel @p0 .LBB2_1-.Ltmp1, $4  }
0x42: {  	[hbm4b:s7+s2] =	stream.linear.scatter [tilespmem:s13], [sflag:$0x3], $0x4000, $0x38;
	[tilespmem:$0x9400] =	vst v63  }
0x43: {  	_ =	swait.ge [sflag:s10], $0x4000  }
0x44: {  	[sflag:s10] =	ssyncset.done $0x0  }
0x45: {  	[sflag:s10] =	ssyncadd.s32 $0xFFFFC000  }
0x46: {  	_ =	sfence.sel $0x180000  }
0x47: {  	[bflag:$0x0] =	sbarrier.arrive $0xFFFF  }
0x48: {  	p0 =	sne.s32 s1, $0x0;
	_ =	strace $0x90000047  }
0x49: {  	s0 =	sadd.s32 @!p0 $0x100000, s0;
	[bflag:$0x2] =	sbarrier.arrive $0xFFFF  }
0x4a: {  	[sflag:s0] =	ssyncadd.tile.s32 @!p0 $0x1;
	_ =	shalt  }
.Lfunc_end2:
_tile_overlayer_lowered:
.L_overlay_start_2:
0x4b: {  	(tag) =	ssettag $0x2  }
0x4c: {  	s0 =	rddreg [dreg:$0x0];
	s2 =	stileid.u32  }
0x4d: {  	s1 =	rddreg [dreg:$0x1];
	p0 =	sne.s32 s2, $0x0  }
0x4e: {  	s3 =	rddreg [dreg:$0x2];
	[bflag:$0x3] =	sbarrier.arrive $0xFFFF;
	s2 =	simm.s32 @!p0 $0x1C03  }
0x4f: {  	[timem:s3], [sflag:s2] =	dma.local @!p0 [hbm:s0], s1  }
0x50: {  	s0 =	simm.s32 @!p0 $0x3  }
0x51: {  	_ =	swait.ge @!p0 [sflag:s0], s1  }
0x52: {  	s1 =	ssub.s32 @!p0 $0x0, s1;
	[sflag:s0] =	ssyncset.done @!p0 $0x0  }
0x53: {  	[sflag:s0] =	ssyncadd.s32 @!p0 s1  }
0x54: {  	[bflag:$0x3] =	sbarrier.arrive $0xFFFF  }
0x55: {  	_ =	shalt  }

</sc_bundles>
